<compile_context>
chip_gen: v7x
topology: tpu7x:2x2x1
jax: 0.10.2.dev20260603
libtpu: 0.0.44.dev20260713+nightly
codegen_flags: <defaults>
</compile_context>

<pallas_src>
import jax
import jax.numpy as jnp
from jax import lax
from jax.experimental import pallas as pl
from jax.experimental.pallas import tpu as pltpu
from jax.experimental.pallas import tpu_sc as plsc

N = 10000
CH = 128
NPAD = 10240
DUMMY = NPAD - 1
NCORES = 2
NSUB = 16
NTILES = NCORES * NSUB
CHUNK = 128
NCHUNK = 80
EPT = NCHUNK * CHUNK
EPAD = NTILES * EPT
RPT = NPAD // NSUB
BLK = 1024


def _mesh():
    return plsc.VectorSubcoreMesh(core_axis_name="c", subcore_axis_name="s")


CPT = EPAD // NSUB // CHUNK
CHALF = CPT // 2


def _deg_body(cols_hbm, deg_out, colv, pdeg, tbuf, rbuf, repv, sh):
    c = lax.axis_index("c")
    s = lax.axis_index("s")

    def z(i, _):
        pdeg[pl.ds(i * 16, 16)] = jnp.zeros((16,), jnp.float32)
        return 0

    lax.fori_loop(0, NPAD // 16, z, 0)

    ones = jnp.ones((16,), jnp.float32)
    for h in range(2):
        pltpu.sync_copy(cols_hbm.at[s, pl.ds(h * CHALF, CHALF)], colv)

        def count(j, _):
            for u in range(CHUNK // 16):
                iv = colv[j, pl.ds(u * 16, 16)]
                plsc.addupdate_scatter(pdeg, [iv], ones)
            return 0

        lax.fori_loop(0, CHALF, count, 0)

    pltpu.sync_copy(pdeg, sh.at[s])
    plsc.subcore_barrier()
    pltpu.sync_copy(sh.at[:, pl.ds(s * RPT, RPT)], tbuf)

    def red(k, _):
        v = tbuf[0, pl.ds(k * 16, 16)]
        for t in range(1, NSUB):
            v = v + tbuf[t, pl.ds(k * 16, 16)]
        rbuf[pl.ds(k * 16, 16)] = v
        return 0

    lax.fori_loop(0, RPT // 16, red, 0)

    @pl.when(c == 0)
    def _():
        for k in range(RPT // CHUNK):
            def rep(r, _):
                iv = jnp.full((16,), k * CHUNK + r, jnp.int32)
                d = plsc.load_gather(rbuf, [iv])
                for u in range(CH // 16):
                    repv[r, pl.ds(u * 16, 16)] = d
                return 0

            lax.fori_loop(0, CHUNK, rep, 0)
            pltpu.sync_copy(repv,
                            deg_out.at[pl.ds(s * RPT + k * CHUNK, CHUNK)])


_deg_call = pl.kernel(
    _deg_body,
    out_type=jax.ShapeDtypeStruct((NPAD, CH), jnp.float32),
    mesh=_mesh(),
    compiler_params=pltpu.CompilerParams(needs_layout_passes=False),
    scratch_types=[
        pltpu.VMEM((CHALF, CHUNK), jnp.int32),
        pltpu.VMEM((NPAD,), jnp.float32),
        pltpu.VMEM((NSUB, RPT), jnp.float32),
        pltpu.VMEM((RPT,), jnp.float32),
        pltpu.VMEM((CHUNK, CH), jnp.float32),
        pltpu.VMEM_SHARED((NSUB, NPAD), jnp.float32),
    ],
)


HALF = NCHUNK // 2


def _msg_body(rows_hbm, cols_hbm, y_hbm, parts_out, rowv, colv,
              bufa, bufb, acc, gsa, gsb, ssa, ssb):
    c = lax.axis_index("c")
    s = lax.axis_index("s")
    wid = s * NCORES + c

    def zfill(i, _):
        for u in range(CH // 16):
            bufa[i, pl.ds(u * 16, 16)] = jnp.zeros((16,), jnp.float32)
        return 0

    lax.fori_loop(0, CHUNK, zfill, 0)
    for k in range(RPT // CHUNK):
        pltpu.sync_copy(bufa, acc.at[pl.ds(s * RPT + k * CHUNK, CHUNK)])
    plsc.subcore_barrier()

    def run_slice(wid):
      for h in range(NCHUNK // HALF):
        pltpu.sync_copy(rows_hbm.at[wid, pl.ds(h * HALF, HALF)], rowv)
        pltpu.sync_copy(cols_hbm.at[wid, pl.ds(h * HALF, HALF)], colv)
        pltpu.async_copy(y_hbm.at[rowv.at[0]], bufa, gsa).wait()

        def pair(p, _):
            j = p * 2
            sh = pltpu.async_copy(bufa, acc.at[colv.at[j]], ssa, add=True)
            gh = pltpu.async_copy(y_hbm.at[rowv.at[j + 1]], bufb, gsb)
            gh.wait()
            sh.wait()
            sh2 = pltpu.async_copy(bufb, acc.at[colv.at[j + 1]], ssb, add=True)
            gh2 = pltpu.async_copy(y_hbm.at[rowv.at[j + 2]], bufa, gsa)
            gh2.wait()
            sh2.wait()
            return 0

        lax.fori_loop(0, (HALF - 2) // 2, pair, 0)
        sh = pltpu.async_copy(bufa, acc.at[colv.at[HALF - 2]], ssa, add=True)
        gh = pltpu.async_copy(y_hbm.at[rowv.at[HALF - 1]], bufb, gsb)
        gh.wait()
        sh.wait()
        pltpu.async_copy(bufb, acc.at[colv.at[HALF - 1]], ssb, add=True).wait()

    run_slice(wid)
    plsc.subcore_barrier()
    pltpu.sync_copy(
        acc.at[pl.ds(s * RPT, RPT)], parts_out.at[c, pl.ds(s * RPT, RPT)]
    )


_msg_call = pl.kernel(
    _msg_body,
    out_type=jax.ShapeDtypeStruct((NCORES, NPAD, CH), jnp.float32),
    mesh=_mesh(),
    compiler_params=pltpu.CompilerParams(needs_layout_passes=False),
    scratch_types=[
        pltpu.VMEM((HALF, CHUNK), jnp.int32),
        pltpu.VMEM((HALF, CHUNK), jnp.int32),
        pltpu.VMEM((CHUNK, CH), jnp.float32),
        pltpu.VMEM((CHUNK, CH), jnp.float32),
        pltpu.VMEM_SHARED((NPAD, CH), jnp.float32),
        pltpu.SemaphoreType.DMA,
        pltpu.SemaphoreType.DMA,
        pltpu.SemaphoreType.DMA,
        pltpu.SemaphoreType.DMA,
    ],
)


def _pre_body(x_ref, w_ref, deg_ref, y_ref, dis_ref):
    xw = jnp.dot(
        x_ref[...], w_ref[...],
        preferred_element_type=jnp.float32,
        precision=lax.Precision.HIGHEST,
    )
    dis = lax.rsqrt(deg_ref[...] + 1.0)
    y_ref[...] = xw * dis
    dis_ref[...] = dis


def _pre_call(x_pad, w, deg_rep):
    return pl.pallas_call(
        _pre_body,
        grid=(NPAD // BLK,),
        in_specs=[
            pl.BlockSpec((BLK, CH), lambda i: (i, 0)),
            pl.BlockSpec((CH, CH), lambda i: (0, 0)),
            pl.BlockSpec((BLK, CH), lambda i: (i, 0)),
        ],
        out_specs=[
            pl.BlockSpec((BLK, CH), lambda i: (i, 0)),
            pl.BlockSpec((BLK, CH), lambda i: (i, 0)),
        ],
        out_shape=[
            jax.ShapeDtypeStruct((NPAD, CH), jnp.float32),
            jax.ShapeDtypeStruct((NPAD, CH), jnp.float32),
        ],
    )(x_pad, w, deg_rep)


def _post_body(p_ref, y_ref, dis_ref, b_ref, a_ref, o_ref):
    si = p_ref[0, :, :] + p_ref[1, :, :] + y_ref[...]
    o = dis_ref[...] * si + b_ref[...]
    o_ref[...] = jnp.where(o > 0, o, a_ref[...] * o)


def _post_call(parts, y, dis, b2, a2):
    return pl.pallas_call(
        _post_body,
        grid=(NPAD // BLK,),
        in_specs=[
            pl.BlockSpec((NCORES, BLK, CH), lambda i: (0, i, 0)),
            pl.BlockSpec((BLK, CH), lambda i: (i, 0)),
            pl.BlockSpec((BLK, CH), lambda i: (i, 0)),
            pl.BlockSpec((1, CH), lambda i: (0, 0)),
            pl.BlockSpec((1, CH), lambda i: (0, 0)),
        ],
        out_specs=pl.BlockSpec((BLK, CH), lambda i: (i, 0)),
        out_shape=jax.ShapeDtypeStruct((NPAD, CH), jnp.float32),
    )(parts, y, dis, b2, a2)


def kernel(x, edge_index, W, b, prelu_a):
    row = edge_index[0]
    col = edge_index[1]
    e = row.shape[0]
    pad = EPAD - e
    rows = jnp.concatenate(
        [row, jnp.zeros((pad,), jnp.int32)]
    ).reshape(NTILES, NCHUNK, CHUNK)
    cols = jnp.concatenate(
        [col, jnp.full((pad,), DUMMY, jnp.int32)]
    ).reshape(NTILES, NCHUNK, CHUNK)
    x_pad = jnp.pad(x, ((0, NPAD - N), (0, 0)))

    deg_rep = _deg_call(cols.reshape(NSUB, CPT, CHUNK))
    y, dis = _pre_call(x_pad, W, deg_rep)
    parts = _msg_call(rows, cols, y)
    out = _post_call(parts, y, dis, b.reshape(1, CH), prelu_a.reshape(1, CH))
    return out[:N]

# --- scband reference (transcript-rebuilt; emitter-appended) ---
"""Pipeline reference for scband-sug-encoder-34333968564697 (READ-ONLY COPY).

The authoritative reference and input builder live on the scoring server;
editing this copy changes nothing except your own understanding.
"""

import jax, jax.numpy as jnp
import numpy as np

N = 10000
E = 320000
IN_CH = 128
HID = 128

def setup_inputs(seed: int = 0) -> dict:
    key = jax.random.key(seed)
    k1, k2, k3, k4 = jax.random.split(key, 4)
    x = jax.random.normal(k1, (N, IN_CH), dtype=jnp.float32)
    edge_index = jax.random.randint(k2, (2, E), 0, N, dtype=jnp.int32)
    # GCNConv learned params (glorot-ish weight, zero bias)
    W = jax.random.normal(k3, (IN_CH, HID), dtype=jnp.float32) * (1.0 / np.sqrt(IN_CH))
    b = jnp.zeros((HID,), dtype=jnp.float32)
    # PReLU per-channel slope, torch default init 0.25
    prelu_a = jnp.full((HID,), 0.25, dtype=jnp.float32)
    return {"x": x, "edge_index": edge_index, "W": W, "b": b, "prelu_a": prelu_a}

def reference(x, edge_index, W, b, prelu_a):
    # GCNConv: add self-loops, symmetric normalization D^-1/2 (A+I) D^-1/2, then (norm * XW) scatter-add, + bias
    row = edge_index[0]
    col = edge_index[1]
    loop = jnp.arange(N, dtype=row.dtype)
    row = jnp.concatenate([row, loop])
    col = jnp.concatenate([col, loop])
    xw = x @ W
    ones = jnp.ones(row.shape[0], dtype=jnp.float32)
    deg = jax.ops.segment_sum(ones, col, num_segments=N)
    deg_inv_sqrt = jnp.where(deg > 0, jax.lax.rsqrt(jnp.maximum(deg, 1e-12)), 0.0)
    norm = deg_inv_sqrt[row] * deg_inv_sqrt[col]
    msg = xw[row] * norm[:, None]
    out = jax.ops.segment_sum(msg, col, num_segments=N) + b
    # PReLU
    out = jnp.where(out > 0, out, prelu_a * out)
    return out

if __name__ == "__main__":
    import jax
    _d = setup_inputs()
    print(jax.jit(kernel)(*tuple(_d.values())))

</pallas_src>

<mosaic_0001>
#map = affine_map<(d0, d1) -> (0, 0, 0)>
#map1 = affine_map<(d0, d1) -> (0, 0)>
module attributes {stable_mosaic.version = 14 : i64} {
  func.func @_msg_body(%arg0: i32, %arg1: i32, %arg2: memref<32x80x128xi32, #tpu.memory_space<hbm>>, %arg3: memref<32x80x128xi32, #tpu.memory_space<hbm>>, %arg4: memref<10240x128xf32, #tpu.memory_space<hbm>>, %arg5: memref<2x10240x128xf32, #tpu.memory_space<hbm>>, %arg6: memref<40x128xi32, #tpu.memory_space<vmem>>, %arg7: memref<40x128xi32, #tpu.memory_space<vmem>>, %arg8: memref<128x128xf32, #tpu.memory_space<vmem>>, %arg9: memref<128x128xf32, #tpu.memory_space<vmem>>, %arg10: memref<10240x128xf32, #tpu.memory_space<vmem_shared>>, %arg11: memref<!tpu.dma_semaphore, #tpu.memory_space<semaphore_mem>>, %arg12: memref<!tpu.dma_semaphore, #tpu.memory_space<semaphore_mem>>, %arg13: memref<!tpu.dma_semaphore, #tpu.memory_space<semaphore_mem>>, %arg14: memref<!tpu.dma_semaphore, #tpu.memory_space<semaphore_mem>>) attributes {dimension_semantics = [#tpu.dimension_semantics<core_parallel>, #tpu.dimension_semantics<subcore_parallel>], iteration_bounds = array<i64: 2, 16>, scalar_prefetch = 0 : i64, scratch_operands = 9 : i64, tpu.core_type = #tpu.core_type<sc_vector_subcore>, window_params = [{transform_indices = #map}, {transform_indices = #map}, {transform_indices = #map1}, {transform_indices = #map}]} {
    %mul3A = arith.constant 2 : i32
    %mul3A_0 = arith.muli %arg1, %mul3A : i32
    %add3A = arith.addi %mul3A_0, %arg0 : i32
    %scan3A = arith.constant 0 : i32
    %scan3A_1 = arith.constant 0 : i32
    %scan3A_2 = arith.constant 128 : i32
    %scan3A_3 = arith.addi %scan3A_1, %scan3A_2 : i32
    %scan3A_4 = arith.constant 1 : i32
    %scan3A_5 = scf.for %scan3A_156 = %scan3A_1 to %scan3A_3 step %scan3A_4 iter_args(%scan3A_157 = %scan3A) -> (i32)  : i32 {
      %broadcast_in_dim3A = arith.constant 0.000000e+00 : f32
      %broadcast_in_dim3A_158 = vector.broadcast %broadcast_in_dim3A : f32 to vector<16xf32>
      %swap3A = arith.index_cast %scan3A_156 : i32 to index
      %swap3A_159 = arith.constant 0 : index
      %swap3A_160 = tpu.vector_load %arg8[%swap3A, %swap3A_159] {strides = array<i32>} : memref<128x128xf32, #tpu.memory_space<vmem>>, vector<16xf32>,
      tpu.vector_store %arg8[%swap3A, %swap3A_159], %broadcast_in_dim3A_158 {strides = array<i32>} : memref<128x128xf32, #tpu.memory_space<vmem>>, vector<16xf32>,
      %broadcast_in_dim3A_161 = arith.constant 0.000000e+00 : f32
      %broadcast_in_dim3A_162 = vector.broadcast %broadcast_in_dim3A_161 : f32 to vector<16xf32>
      %swap3A_163 = arith.index_cast %scan3A_156 : i32 to index
      %swap3A_164 = arith.constant 16 : index
      %swap3A_165 = tpu.vector_load %arg8[%swap3A_163, %swap3A_164] {strides = array<i32>} : memref<128x128xf32, #tpu.memory_space<vmem>>, vector<16xf32>,
      tpu.vector_store %arg8[%swap3A_163, %swap3A_164], %broadcast_in_dim3A_162 {strides = array<i32>} : memref<128x128xf32, #tpu.memory_space<vmem>>, vector<16xf32>,
      %broadcast_in_dim3A_166 = arith.constant 0.000000e+00 : f32
      %broadcast_in_dim3A_167 = vector.broadcast %broadcast_in_dim3A_166 : f32 to vector<16xf32>
      %swap3A_168 = arith.index_cast %scan3A_156 : i32 to index
      %swap3A_169 = arith.constant 32 : index
      %swap3A_170 = tpu.vector_load %arg8[%swap3A_168, %swap3A_169] {strides = array<i32>} : memref<128x128xf32, #tpu.memory_space<vmem>>, vector<16xf32>,
      tpu.vector_store %arg8[%swap3A_168, %swap3A_169], %broadcast_in_dim3A_167 {strides = array<i32>} : memref<128x128xf32, #tpu.memory_space<vmem>>, vector<16xf32>,
      %broadcast_in_dim3A_171 = arith.constant 0.000000e+00 : f32
      %broadcast_in_dim3A_172 = vector.broadcast %broadcast_in_dim3A_171 : f32 to vector<16xf32>
      %swap3A_173 = arith.index_cast %scan3A_156 : i32 to index
      %swap3A_174 = arith.constant 48 : index
      %swap3A_175 = tpu.vector_load %arg8[%swap3A_173, %swap3A_174] {strides = array<i32>} : memref<128x128xf32, #tpu.memory_space<vmem>>, vector<16xf32>,
      tpu.vector_store %arg8[%swap3A_173, %swap3A_174], %broadcast_in_dim3A_172 {strides = array<i32>} : memref<128x128xf32, #tpu.memory_space<vmem>>, vector<16xf32>,
      %broadcast_in_dim3A_176 = arith.constant 0.000000e+00 : f32
      %broadcast_in_dim3A_177 = vector.broadcast %broadcast_in_dim3A_176 : f32 to vector<16xf32>
      %swap3A_178 = arith.index_cast %scan3A_156 : i32 to index
      %swap3A_179 = arith.constant 64 : index
      %swap3A_180 = tpu.vector_load %arg8[%swap3A_178, %swap3A_179] {strides = array<i32>} : memref<128x128xf32, #tpu.memory_space<vmem>>, vector<16xf32>,
      tpu.vector_store %arg8[%swap3A_178, %swap3A_179], %broadcast_in_dim3A_177 {strides = array<i32>} : memref<128x128xf32, #tpu.memory_space<vmem>>, vector<16xf32>,
      %broadcast_in_dim3A_181 = arith.constant 0.000000e+00 : f32
      %broadcast_in_dim3A_182 = vector.broadcast %broadcast_in_dim3A_181 : f32 to vector<16xf32>
      %swap3A_183 = arith.index_cast %scan3A_156 : i32 to index
      %swap3A_184 = arith.constant 80 : index
      %swap3A_185 = tpu.vector_load %arg8[%swap3A_183, %swap3A_184] {strides = array<i32>} : memref<128x128xf32, #tpu.memory_space<vmem>>, vector<16xf32>,
      tpu.vector_store %arg8[%swap3A_183, %swap3A_184], %broadcast_in_dim3A_182 {strides = array<i32>} : memref<128x128xf32, #tpu.memory_space<vmem>>, vector<16xf32>,
      %broadcast_in_dim3A_186 = arith.constant 0.000000e+00 : f32
      %broadcast_in_dim3A_187 = vector.broadcast %broadcast_in_dim3A_186 : f32 to vector<16xf32>
      %swap3A_188 = arith.index_cast %scan3A_156 : i32 to index
      %swap3A_189 = arith.constant 96 : index
      %swap3A_190 = tpu.vector_load %arg8[%swap3A_188, %swap3A_189] {strides = array<i32>} : memref<128x128xf32, #tpu.memory_space<vmem>>, vector<16xf32>,
      tpu.vector_store %arg8[%swap3A_188, %swap3A_189], %broadcast_in_dim3A_187 {strides = array<i32>} : memref<128x128xf32, #tpu.memory_space<vmem>>, vector<16xf32>,
      %broadcast_in_dim3A_191 = arith.constant 0.000000e+00 : f32
      %broadcast_in_dim3A_192 = vector.broadcast %broadcast_in_dim3A_191 : f32 to vector<16xf32>
      %swap3A_193 = arith.index_cast %scan3A_156 : i32 to index
      %swap3A_194 = arith.constant 112 : index
      %swap3A_195 = tpu.vector_load %arg8[%swap3A_193, %swap3A_194] {strides = array<i32>} : memref<128x128xf32, #tpu.memory_space<vmem>>, vector<16xf32>,
      tpu.vector_store %arg8[%swap3A_193, %swap3A_194], %broadcast_in_dim3A_192 {strides = array<i32>} : memref<128x128xf32, #tpu.memory_space<vmem>>, vector<16xf32>,
      %scan3A_196 = arith.constant 0 : i32
      scf.yield %scan3A_196 : i32
    }
    %scan3A_6 = arith.constant 128 : i32
    %mul3A_7 = arith.constant 640 : i32
    %mul3A_8 = arith.muli %arg1, %mul3A_7 : i32
    %add3A_9 = arith.constant 0 : i32
    %add3A_10 = arith.addi %mul3A_8, %add3A_9 : i32
    "tpu.region"() ({
      %run_scoped3A = tpu.sem_alloc : memref<!tpu.dma_semaphore, #tpu.memory_space<semaphore_mem>>
      %dma_start3A_156 = arith.constant 0 : i32
      %dma_start3A_157 = tpu.memref_slice %arg10[%add3A_10, %dma_start3A_156] : memref<10240x128xf32, #tpu.memory_space<vmem_shared>> -> memref<128x128xf32, #tpu.memory_space<vmem_shared>>
      %dma_start3A_158 = arith.constant 0 : i32
      %dma_start3A_159 = tpu.memref_slice %arg10[%add3A_10, %dma_start3A_158] : memref<10240x128xf32, #tpu.memory_space<vmem_shared>> -> memref<128x128xf32, #tpu.memory_space<vmem_shared>>
      tpu.enqueue_dma source(%arg8 : memref<128x128xf32, #tpu.memory_space<vmem>>) target(%dma_start3A_159 : memref<128x128xf32, #tpu.memory_space<vmem_shared>>) target_semaphore(%run_scoped3A : memref<!tpu.dma_semaphore, #tpu.memory_space<semaphore_mem>>)
      %dma_wait3A_160 = arith.constant 0 : i32
      %dma_wait3A_161 = tpu.memref_slice %arg10[%add3A_10, %dma_wait3A_160] : memref<10240x128xf32, #tpu.memory_space<vmem_shared>> -> memref<128x128xf32, #tpu.memory_space<vmem_shared>>
      %dma_wait3A_162 = arith.constant 0 : i32
      %dma_wait3A_163 = tpu.memref_slice %arg10[%add3A_10, %dma_wait3A_162] : memref<10240x128xf32, #tpu.memory_space<vmem_shared>> -> memref<128x128xf32, #tpu.memory_space<vmem_shared>>
      tpu.wait_dma2 semaphore(%run_scoped3A : memref<!tpu.dma_semaphore, #tpu.memory_space<semaphore_mem>>) src(%arg8 : memref<128x128xf32, #tpu.memory_space<vmem>>) dst(%dma_wait3A_163 : memref<128x128xf32, #tpu.memory_space<vmem_shared>>)
      tpu.yield
    }) : () -> ()
    %mul3A_11 = arith.constant 640 : i32
    %mul3A_12 = arith.muli %arg1, %mul3A_11 : i32
    %add3A_13 = arith.constant 128 : i32
    %add3A_14 = arith.addi %mul3A_12, %add3A_13 : i32
    "tpu.region"() ({
      %run_scoped3A = tpu.sem_alloc : memref<!tpu.dma_semaphore, #tpu.memory_space<semaphore_mem>>
      %dma_start3A_156 = arith.constant 0 : i32
      %dma_start3A_157 = tpu.memref_slice %arg10[%add3A_14, %dma_start3A_156] : memref<10240x128xf32, #tpu.memory_space<vmem_shared>> -> memref<128x128xf32, #tpu.memory_space<vmem_shared>>
      %dma_start3A_158 = arith.constant 0 : i32
      %dma_start3A_159 = tpu.memref_slice %arg10[%add3A_14, %dma_start3A_158] : memref<10240x128xf32, #tpu.memory_space<vmem_shared>> -> memref<128x128xf32, #tpu.memory_space<vmem_shared>>
      tpu.enqueue_dma source(%arg8 : memref<128x128xf32, #tpu.memory_space<vmem>>) target(%dma_start3A_159 : memref<128x128xf32, #tpu.memory_space<vmem_shared>>) target_semaphore(%run_scoped3A : memref<!tpu.dma_semaphore, #tpu.memory_space<semaphore_mem>>)
      %dma_wait3A_160 = arith.constant 0 : i32
      %dma_wait3A_161 = tpu.memref_slice %arg10[%add3A_14, %dma_wait3A_160] : memref<10240x128xf32, #tpu.memory_space<vmem_shared>> -> memref<128x128xf32, #tpu.memory_space<vmem_shared>>
      %dma_wait3A_162 = arith.constant 0 : i32
      %dma_wait3A_163 = tpu.memref_slice %arg10[%add3A_14, %dma_wait3A_162] : memref<10240x128xf32, #tpu.memory_space<vmem_shared>> -> memref<128x128xf32, #tpu.memory_space<vmem_shared>>
      tpu.wait_dma2 semaphore(%run_scoped3A : memref<!tpu.dma_semaphore, #tpu.memory_space<semaphore_mem>>) src(%arg8 : memref<128x128xf32, #tpu.memory_space<vmem>>) dst(%dma_wait3A_163 : memref<128x128xf32, #tpu.memory_space<vmem_shared>>)
      tpu.yield
    }) : () -> ()
    %mul3A_15 = arith.constant 640 : i32
    %mul3A_16 = arith.muli %arg1, %mul3A_15 : i32
    %add3A_17 = arith.constant 256 : i32
    %add3A_18 = arith.addi %mul3A_16, %add3A_17 : i32
    "tpu.region"() ({
      %run_scoped3A = tpu.sem_alloc : memref<!tpu.dma_semaphore, #tpu.memory_space<semaphore_mem>>
      %dma_start3A_156 = arith.constant 0 : i32
      %dma_start3A_157 = tpu.memref_slice %arg10[%add3A_18, %dma_start3A_156] : memref<10240x128xf32, #tpu.memory_space<vmem_shared>> -> memref<128x128xf32, #tpu.memory_space<vmem_shared>>
      %dma_start3A_158 = arith.constant 0 : i32
      %dma_start3A_159 = tpu.memref_slice %arg10[%add3A_18, %dma_start3A_158] : memref<10240x128xf32, #tpu.memory_space<vmem_shared>> -> memref<128x128xf32, #tpu.memory_space<vmem_shared>>
      tpu.enqueue_dma source(%arg8 : memref<128x128xf32, #tpu.memory_space<vmem>>) target(%dma_start3A_159 : memref<128x128xf32, #tpu.memory_space<vmem_shared>>) target_semaphore(%run_scoped3A : memref<!tpu.dma_semaphore, #tpu.memory_space<semaphore_mem>>)
      %dma_wait3A_160 = arith.constant 0 : i32
      %dma_wait3A_161 = tpu.memref_slice %arg10[%add3A_18, %dma_wait3A_160] : memref<10240x128xf32, #tpu.memory_space<vmem_shared>> -> memref<128x128xf32, #tpu.memory_space<vmem_shared>>
      %dma_wait3A_162 = arith.constant 0 : i32
      %dma_wait3A_163 = tpu.memref_slice %arg10[%add3A_18, %dma_wait3A_162] : memref<10240x128xf32, #tpu.memory_space<vmem_shared>> -> memref<128x128xf32, #tpu.memory_space<vmem_shared>>
      tpu.wait_dma2 semaphore(%run_scoped3A : memref<!tpu.dma_semaphore, #tpu.memory_space<semaphore_mem>>) src(%arg8 : memref<128x128xf32, #tpu.memory_space<vmem>>) dst(%dma_wait3A_163 : memref<128x128xf32, #tpu.memory_space<vmem_shared>>)
      tpu.yield
    }) : () -> ()
    %mul3A_19 = arith.constant 640 : i32
    %mul3A_20 = arith.muli %arg1, %mul3A_19 : i32
    %add3A_21 = arith.constant 384 : i32
    %add3A_22 = arith.addi %mul3A_20, %add3A_21 : i32
    "tpu.region"() ({
      %run_scoped3A = tpu.sem_alloc : memref<!tpu.dma_semaphore, #tpu.memory_space<semaphore_mem>>
      %dma_start3A_156 = arith.constant 0 : i32
      %dma_start3A_157 = tpu.memref_slice %arg10[%add3A_22, %dma_start3A_156] : memref<10240x128xf32, #tpu.memory_space<vmem_shared>> -> memref<128x128xf32, #tpu.memory_space<vmem_shared>>
      %dma_start3A_158 = arith.constant 0 : i32
      %dma_start3A_159 = tpu.memref_slice %arg10[%add3A_22, %dma_start3A_158] : memref<10240x128xf32, #tpu.memory_space<vmem_shared>> -> memref<128x128xf32, #tpu.memory_space<vmem_shared>>
      tpu.enqueue_dma source(%arg8 : memref<128x128xf32, #tpu.memory_space<vmem>>) target(%dma_start3A_159 : memref<128x128xf32, #tpu.memory_space<vmem_shared>>) target_semaphore(%run_scoped3A : memref<!tpu.dma_semaphore, #tpu.memory_space<semaphore_mem>>)
      %dma_wait3A_160 = arith.constant 0 : i32
      %dma_wait3A_161 = tpu.memref_slice %arg10[%add3A_22, %dma_wait3A_160] : memref<10240x128xf32, #tpu.memory_space<vmem_shared>> -> memref<128x128xf32, #tpu.memory_space<vmem_shared>>
      %dma_wait3A_162 = arith.constant 0 : i32
      %dma_wait3A_163 = tpu.memref_slice %arg10[%add3A_22, %dma_wait3A_162] : memref<10240x128xf32, #tpu.memory_space<vmem_shared>> -> memref<128x128xf32, #tpu.memory_space<vmem_shared>>
      tpu.wait_dma2 semaphore(%run_scoped3A : memref<!tpu.dma_semaphore, #tpu.memory_space<semaphore_mem>>) src(%arg8 : memref<128x128xf32, #tpu.memory_space<vmem>>) dst(%dma_wait3A_163 : memref<128x128xf32, #tpu.memory_space<vmem_shared>>)
      tpu.yield
    }) : () -> ()
    %mul3A_23 = arith.constant 640 : i32
    %mul3A_24 = arith.muli %arg1, %mul3A_23 : i32
    %add3A_25 = arith.constant 512 : i32
    %add3A_26 = arith.addi %mul3A_24, %add3A_25 : i32
    "tpu.region"() ({
      %run_scoped3A = tpu.sem_alloc : memref<!tpu.dma_semaphore, #tpu.memory_space<semaphore_mem>>
      %dma_start3A_156 = arith.constant 0 : i32
      %dma_start3A_157 = tpu.memref_slice %arg10[%add3A_26, %dma_start3A_156] : memref<10240x128xf32, #tpu.memory_space<vmem_shared>> -> memref<128x128xf32, #tpu.memory_space<vmem_shared>>
      %dma_start3A_158 = arith.constant 0 : i32
      %dma_start3A_159 = tpu.memref_slice %arg10[%add3A_26, %dma_start3A_158] : memref<10240x128xf32, #tpu.memory_space<vmem_shared>> -> memref<128x128xf32, #tpu.memory_space<vmem_shared>>
      tpu.enqueue_dma source(%arg8 : memref<128x128xf32, #tpu.memory_space<vmem>>) target(%dma_start3A_159 : memref<128x128xf32, #tpu.memory_space<vmem_shared>>) target_semaphore(%run_scoped3A : memref<!tpu.dma_semaphore, #tpu.memory_space<semaphore_mem>>)
      %dma_wait3A_160 = arith.constant 0 : i32
      %dma_wait3A_161 = tpu.memref_slice %arg10[%add3A_26, %dma_wait3A_160] : memref<10240x128xf32, #tpu.memory_space<vmem_shared>> -> memref<128x128xf32, #tpu.memory_space<vmem_shared>>
      %dma_wait3A_162 = arith.constant 0 : i32
      %dma_wait3A_163 = tpu.memref_slice %arg10[%add3A_26, %dma_wait3A_162] : memref<10240x128xf32, #tpu.memory_space<vmem_shared>> -> memref<128x128xf32, #tpu.memory_space<vmem_shared>>
      tpu.wait_dma2 semaphore(%run_scoped3A : memref<!tpu.dma_semaphore, #tpu.memory_space<semaphore_mem>>) src(%arg8 : memref<128x128xf32, #tpu.memory_space<vmem>>) dst(%dma_wait3A_163 : memref<128x128xf32, #tpu.memory_space<vmem_shared>>)
      tpu.yield
    }) : () -> ()
    %barrier3A = arith.constant 0 : index
    tpu.barrier barrier_id(%barrier3A)
    "tpu.region"() ({
      %run_scoped3A = tpu.sem_alloc : memref<!tpu.dma_semaphore, #tpu.memory_space<semaphore_mem>>
      %dma_start3A_156 = arith.constant 0 : i32
      %dma_start3A_157 = arith.constant 0 : i32
      %dma_start3A_158 = tpu.memref_slice %arg2[%add3A, %dma_start3A_156, %dma_start3A_157] : memref<32x80x128xi32, #tpu.memory_space<hbm>> -> memref<1x40x128xi32, #tpu.memory_space<hbm>>
      %dma_start3A_159 = tpu.memref_squeeze %dma_start3A_158 : memref<1x40x128xi32, #tpu.memory_space<hbm>> -> memref<40x128xi32, #tpu.memory_space<hbm>>
      %dma_start3A_160 = arith.constant 0 : i32
      %dma_start3A_161 = arith.constant 0 : i32
      %dma_start3A_162 = tpu.memref_slice %arg2[%add3A, %dma_start3A_160, %dma_start3A_161] : memref<32x80x128xi32, #tpu.memory_space<hbm>> -> memref<1x40x128xi32, #tpu.memory_space<hbm>>
      %dma_start3A_163 = tpu.memref_squeeze %dma_start3A_162 : memref<1x40x128xi32, #tpu.memory_space<hbm>> -> memref<40x128xi32, #tpu.memory_space<hbm>>
      tpu.enqueue_dma source(%dma_start3A_163 : memref<40x128xi32, #tpu.memory_space<hbm>>) target(%arg6 : memref<40x128xi32, #tpu.memory_space<vmem>>) target_semaphore(%run_scoped3A : memref<!tpu.dma_semaphore, #tpu.memory_space<semaphore_mem>>)
      %dma_wait3A_164 = arith.constant 0 : i32
      %dma_wait3A_165 = arith.constant 0 : i32
      %dma_wait3A_166 = tpu.memref_slice %arg2[%add3A, %dma_wait3A_164, %dma_wait3A_165] : memref<32x80x128xi32, #tpu.memory_space<hbm>> -> memref<1x40x128xi32, #tpu.memory_space<hbm>>
      %dma_wait3A_167 = tpu.memref_squeeze %dma_wait3A_166 : memref<1x40x128xi32, #tpu.memory_space<hbm>> -> memref<40x128xi32, #tpu.memory_space<hbm>>
      %dma_wait3A_168 = arith.constant 0 : i32
      %dma_wait3A_169 = arith.constant 0 : i32
      %dma_wait3A_170 = tpu.memref_slice %arg2[%add3A, %dma_wait3A_168, %dma_wait3A_169] : memref<32x80x128xi32, #tpu.memory_space<hbm>> -> memref<1x40x128xi32, #tpu.memory_space<hbm>>
      %dma_wait3A_171 = tpu.memref_squeeze %dma_wait3A_170 : memref<1x40x128xi32, #tpu.memory_space<hbm>> -> memref<40x128xi32, #tpu.memory_space<hbm>>
      tpu.wait_dma2 semaphore(%run_scoped3A : memref<!tpu.dma_semaphore, #tpu.memory_space<semaphore_mem>>) src(%dma_wait3A_171 : memref<40x128xi32, #tpu.memory_space<hbm>>) dst(%arg6 : memref<40x128xi32, #tpu.memory_space<vmem>>)
      tpu.yield
    }) : () -> ()
    "tpu.region"() ({
      %run_scoped3A = tpu.sem_alloc : memref<!tpu.dma_semaphore, #tpu.memory_space<semaphore_mem>>
      %dma_start3A_156 = arith.constant 0 : i32
      %dma_start3A_157 = arith.constant 0 : i32
      %dma_start3A_158 = tpu.memref_slice %arg3[%add3A, %dma_start3A_156, %dma_start3A_157] : memref<32x80x128xi32, #tpu.memory_space<hbm>> -> memref<1x40x128xi32, #tpu.memory_space<hbm>>
      %dma_start3A_159 = tpu.memref_squeeze %dma_start3A_158 : memref<1x40x128xi32, #tpu.memory_space<hbm>> -> memref<40x128xi32, #tpu.memory_space<hbm>>
      %dma_start3A_160 = arith.constant 0 : i32
      %dma_start3A_161 = arith.constant 0 : i32
      %dma_start3A_162 = tpu.memref_slice %arg3[%add3A, %dma_start3A_160, %dma_start3A_161] : memref<32x80x128xi32, #tpu.memory_space<hbm>> -> memref<1x40x128xi32, #tpu.memory_space<hbm>>
      %dma_start3A_163 = tpu.memref_squeeze %dma_start3A_162 : memref<1x40x128xi32, #tpu.memory_space<hbm>> -> memref<40x128xi32, #tpu.memory_space<hbm>>
      tpu.enqueue_dma source(%dma_start3A_163 : memref<40x128xi32, #tpu.memory_space<hbm>>) target(%arg7 : memref<40x128xi32, #tpu.memory_space<vmem>>) target_semaphore(%run_scoped3A : memref<!tpu.dma_semaphore, #tpu.memory_space<semaphore_mem>>)
      %dma_wait3A_164 = arith.constant 0 : i32
      %dma_wait3A_165 = arith.constant 0 : i32
      %dma_wait3A_166 = tpu.memref_slice %arg3[%add3A, %dma_wait3A_164, %dma_wait3A_165] : memref<32x80x128xi32, #tpu.memory_space<hbm>> -> memref<1x40x128xi32, #tpu.memory_space<hbm>>
      %dma_wait3A_167 = tpu.memref_squeeze %dma_wait3A_166 : memref<1x40x128xi32, #tpu.memory_space<hbm>> -> memref<40x128xi32, #tpu.memory_space<hbm>>
      %dma_wait3A_168 = arith.constant 0 : i32
      %dma_wait3A_169 = arith.constant 0 : i32
      %dma_wait3A_170 = tpu.memref_slice %arg3[%add3A, %dma_wait3A_168, %dma_wait3A_169] : memref<32x80x128xi32, #tpu.memory_space<hbm>> -> memref<1x40x128xi32, #tpu.memory_space<hbm>>
      %dma_wait3A_171 = tpu.memref_squeeze %dma_wait3A_170 : memref<1x40x128xi32, #tpu.memory_space<hbm>> -> memref<40x128xi32, #tpu.memory_space<hbm>>
      tpu.wait_dma2 semaphore(%run_scoped3A : memref<!tpu.dma_semaphore, #tpu.memory_space<semaphore_mem>>) src(%dma_wait3A_171 : memref<40x128xi32, #tpu.memory_space<hbm>>) dst(%arg7 : memref<40x128xi32, #tpu.memory_space<vmem>>)
      tpu.yield
    }) : () -> ()
    %dma_start3A = arith.constant 0 : i32
    %dma_start3A_27 = arith.constant 0 : i32
    %dma_start3A_28 = tpu.memref_slice %arg6[%dma_start3A, %dma_start3A_27] : memref<40x128xi32, #tpu.memory_space<vmem>> -> memref<1x128xi32, #tpu.memory_space<vmem>>
    %dma_start3A_29 = tpu.memref_squeeze %dma_start3A_28 : memref<1x128xi32, #tpu.memory_space<vmem>> -> memref<128xi32, #tpu.memory_space<vmem>>
    %dma_start3A_30 = arith.constant 0 : i32
    %dma_start3A_31 = arith.constant 0 : i32
    %dma_start3A_32 = tpu.memref_slice %arg4[%dma_start3A_30, %dma_start3A_31] : memref<10240x128xf32, #tpu.memory_space<hbm>> -> memref<10240x128xf32, #tpu.memory_space<hbm>>
    tpu.enqueue_indirect_dma source(%dma_start3A_32 : memref<10240x128xf32, #tpu.memory_space<hbm>>) target(%arg8 : memref<128x128xf32, #tpu.memory_space<vmem>>) offsets(%dma_start3A_29 : memref<128xi32, #tpu.memory_space<vmem>>) semaphore(%arg11 : memref<!tpu.dma_semaphore, #tpu.memory_space<semaphore_mem>>)
    %dma_wait3A = arith.constant 0 : i32
    %dma_wait3A_33 = arith.constant 0 : i32
    %dma_wait3A_34 = tpu.memref_slice %arg6[%dma_wait3A, %dma_wait3A_33] : memref<40x128xi32, #tpu.memory_space<vmem>> -> memref<1x128xi32, #tpu.memory_space<vmem>>
    %dma_wait3A_35 = tpu.memref_squeeze %dma_wait3A_34 : memref<1x128xi32, #tpu.memory_space<vmem>> -> memref<128xi32, #tpu.memory_space<vmem>>
    %dma_wait3A_36 = arith.constant 0 : i32
    %dma_wait3A_37 = arith.constant 0 : i32
    %dma_wait3A_38 = tpu.memref_slice %arg4[%dma_wait3A_36, %dma_wait3A_37] : memref<10240x128xf32, #tpu.memory_space<hbm>> -> memref<10240x128xf32, #tpu.memory_space<hbm>>
    tpu.wait_indirect_dma semaphore(%arg11 : memref<!tpu.dma_semaphore, #tpu.memory_space<semaphore_mem>>) src(%dma_wait3A_38 : memref<10240x128xf32, #tpu.memory_space<hbm>>) dst(%arg8 : memref<128x128xf32, #tpu.memory_space<vmem>>)
    %scan3A_39 = arith.constant 0 : i32
    %scan3A_40 = arith.constant 0 : i32
    %scan3A_41 = arith.constant 19 : i32
    %scan3A_42 = arith.addi %scan3A_40, %scan3A_41 : i32
    %scan3A_43 = arith.constant 1 : i32
    %scan3A_44 = scf.for %scan3A_156 = %scan3A_40 to %scan3A_42 step %scan3A_43 iter_args(%scan3A_157 = %scan3A_39) -> (i32)  : i32 {
      %mul3A_158 = arith.constant 2 : i32
      %mul3A_159 = arith.muli %scan3A_156, %mul3A_158 : i32
      %dma_start3A_160 = arith.constant 0 : i32
      %dma_start3A_161 = tpu.memref_slice %arg7[%mul3A_159, %dma_start3A_160] : memref<40x128xi32, #tpu.memory_space<vmem>> -> memref<1x128xi32, #tpu.memory_space<vmem>>
      %dma_start3A_162 = tpu.memref_squeeze %dma_start3A_161 : memref<1x128xi32, #tpu.memory_space<vmem>> -> memref<128xi32, #tpu.memory_space<vmem>>
      %dma_start3A_163 = arith.constant 0 : i32
      %dma_start3A_164 = arith.constant 0 : i32
      %dma_start3A_165 = tpu.memref_slice %arg10[%dma_start3A_163, %dma_start3A_164] : memref<10240x128xf32, #tpu.memory_space<vmem_shared>> -> memref<10240x128xf32, #tpu.memory_space<vmem_shared>>
      tpu.enqueue_indirect_dma source(%arg8 : memref<128x128xf32, #tpu.memory_space<vmem>>) target(%dma_start3A_165 : memref<10240x128xf32, #tpu.memory_space<vmem_shared>>) offsets(%dma_start3A_162 : memref<128xi32, #tpu.memory_space<vmem>>) semaphore(%arg13 : memref<!tpu.dma_semaphore, #tpu.memory_space<semaphore_mem>>) {add = true}
      %add3A_166 = arith.constant 1 : i32
      %add3A_167 = arith.addi %mul3A_159, %add3A_166 : i32
      %dma_start3A_168 = arith.constant 0 : i32
      %dma_start3A_169 = tpu.memref_slice %arg6[%add3A_167, %dma_start3A_168] : memref<40x128xi32, #tpu.memory_space<vmem>> -> memref<1x128xi32, #tpu.memory_space<vmem>>
      %dma_start3A_170 = tpu.memref_squeeze %dma_start3A_169 : memref<1x128xi32, #tpu.memory_space<vmem>> -> memref<128xi32, #tpu.memory_space<vmem>>
      %dma_start3A_171 = arith.constant 0 : i32
      %dma_start3A_172 = arith.constant 0 : i32
      %dma_start3A_173 = tpu.memref_slice %arg4[%dma_start3A_171, %dma_start3A_172] : memref<10240x128xf32, #tpu.memory_space<hbm>> -> memref<10240x128xf32, #tpu.memory_space<hbm>>
      tpu.enqueue_indirect_dma source(%dma_start3A_173 : memref<10240x128xf32, #tpu.memory_space<hbm>>) target(%arg9 : memref<128x128xf32, #tpu.memory_space<vmem>>) offsets(%dma_start3A_170 : memref<128xi32, #tpu.memory_space<vmem>>) semaphore(%arg12 : memref<!tpu.dma_semaphore, #tpu.memory_space<semaphore_mem>>)
      %dma_wait3A_174 = arith.constant 0 : i32
      %dma_wait3A_175 = tpu.memref_slice %arg6[%add3A_167, %dma_wait3A_174] : memref<40x128xi32, #tpu.memory_space<vmem>> -> memref<1x128xi32, #tpu.memory_space<vmem>>
      %dma_wait3A_176 = tpu.memref_squeeze %dma_wait3A_175 : memref<1x128xi32, #tpu.memory_space<vmem>> -> memref<128xi32, #tpu.memory_space<vmem>>
      %dma_wait3A_177 = arith.constant 0 : i32
      %dma_wait3A_178 = arith.constant 0 : i32
      %dma_wait3A_179 = tpu.memref_slice %arg4[%dma_wait3A_177, %dma_wait3A_178] : memref<10240x128xf32, #tpu.memory_space<hbm>> -> memref<10240x128xf32, #tpu.memory_space<hbm>>
      tpu.wait_indirect_dma semaphore(%arg12 : memref<!tpu.dma_semaphore, #tpu.memory_space<semaphore_mem>>) src(%dma_wait3A_179 : memref<10240x128xf32, #tpu.memory_space<hbm>>) dst(%arg9 : memref<128x128xf32, #tpu.memory_space<vmem>>)
      %dma_wait3A_180 = arith.constant 0 : i32
      %dma_wait3A_181 = tpu.memref_slice %arg7[%mul3A_159, %dma_wait3A_180] : memref<40x128xi32, #tpu.memory_space<vmem>> -> memref<1x128xi32, #tpu.memory_space<vmem>>
      %dma_wait3A_182 = tpu.memref_squeeze %dma_wait3A_181 : memref<1x128xi32, #tpu.memory_space<vmem>> -> memref<128xi32, #tpu.memory_space<vmem>>
      %dma_wait3A_183 = arith.constant 0 : i32
      %dma_wait3A_184 = arith.constant 0 : i32
      %dma_wait3A_185 = tpu.memref_slice %arg10[%dma_wait3A_183, %dma_wait3A_184] : memref<10240x128xf32, #tpu.memory_space<vmem_shared>> -> memref<10240x128xf32, #tpu.memory_space<vmem_shared>>
      tpu.wait_indirect_dma semaphore(%arg13 : memref<!tpu.dma_semaphore, #tpu.memory_space<semaphore_mem>>) src(%arg8 : memref<128x128xf32, #tpu.memory_space<vmem>>) dst(%dma_wait3A_185 : memref<10240x128xf32, #tpu.memory_space<vmem_shared>>)
      %add3A_186 = arith.constant 1 : i32
      %add3A_187 = arith.addi %mul3A_159, %add3A_186 : i32
      %dma_start3A_188 = arith.constant 0 : i32
      %dma_start3A_189 = tpu.memref_slice %arg7[%add3A_187, %dma_start3A_188] : memref<40x128xi32, #tpu.memory_space<vmem>> -> memref<1x128xi32, #tpu.memory_space<vmem>>
      %dma_start3A_190 = tpu.memref_squeeze %dma_start3A_189 : memref<1x128xi32, #tpu.memory_space<vmem>> -> memref<128xi32, #tpu.memory_space<vmem>>
      %dma_start3A_191 = arith.constant 0 : i32
      %dma_start3A_192 = arith.constant 0 : i32
      %dma_start3A_193 = tpu.memref_slice %arg10[%dma_start3A_191, %dma_start3A_192] : memref<10240x128xf32, #tpu.memory_space<vmem_shared>> -> memref<10240x128xf32, #tpu.memory_space<vmem_shared>>
      tpu.enqueue_indirect_dma source(%arg9 : memref<128x128xf32, #tpu.memory_space<vmem>>) target(%dma_start3A_193 : memref<10240x128xf32, #tpu.memory_space<vmem_shared>>) offsets(%dma_start3A_190 : memref<128xi32, #tpu.memory_space<vmem>>) semaphore(%arg14 : memref<!tpu.dma_semaphore, #tpu.memory_space<semaphore_mem>>) {add = true}
      %add3A_194 = arith.constant 2 : i32
      %add3A_195 = arith.addi %mul3A_159, %add3A_194 : i32
      %dma_start3A_196 = arith.constant 0 : i32
      %dma_start3A_197 = tpu.memref_slice %arg6[%add3A_195, %dma_start3A_196] : memref<40x128xi32, #tpu.memory_space<vmem>> -> memref<1x128xi32, #tpu.memory_space<vmem>>
      %dma_start3A_198 = tpu.memref_squeeze %dma_start3A_197 : memref<1x128xi32, #tpu.memory_space<vmem>> -> memref<128xi32, #tpu.memory_space<vmem>>
      %dma_start3A_199 = arith.constant 0 : i32
      %dma_start3A_200 = arith.constant 0 : i32
      %dma_start3A_201 = tpu.memref_slice %arg4[%dma_start3A_199, %dma_start3A_200] : memref<10240x128xf32, #tpu.memory_space<hbm>> -> memref<10240x128xf32, #tpu.memory_space<hbm>>
      tpu.enqueue_indirect_dma source(%dma_start3A_201 : memref<10240x128xf32, #tpu.memory_space<hbm>>) target(%arg8 : memref<128x128xf32, #tpu.memory_space<vmem>>) offsets(%dma_start3A_198 : memref<128xi32, #tpu.memory_space<vmem>>) semaphore(%arg11 : memref<!tpu.dma_semaphore, #tpu.memory_space<semaphore_mem>>)
      %dma_wait3A_202 = arith.constant 0 : i32
      %dma_wait3A_203 = tpu.memref_slice %arg6[%add3A_195, %dma_wait3A_202] : memref<40x128xi32, #tpu.memory_space<vmem>> -> memref<1x128xi32, #tpu.memory_space<vmem>>
      %dma_wait3A_204 = tpu.memref_squeeze %dma_wait3A_203 : memref<1x128xi32, #tpu.memory_space<vmem>> -> memref<128xi32, #tpu.memory_space<vmem>>
      %dma_wait3A_205 = arith.constant 0 : i32
      %dma_wait3A_206 = arith.constant 0 : i32
      %dma_wait3A_207 = tpu.memref_slice %arg4[%dma_wait3A_205, %dma_wait3A_206] : memref<10240x128xf32, #tpu.memory_space<hbm>> -> memref<10240x128xf32, #tpu.memory_space<hbm>>
      tpu.wait_indirect_dma semaphore(%arg11 : memref<!tpu.dma_semaphore, #tpu.memory_space<semaphore_mem>>) src(%dma_wait3A_207 : memref<10240x128xf32, #tpu.memory_space<hbm>>) dst(%arg8 : memref<128x128xf32, #tpu.memory_space<vmem>>)
      %dma_wait3A_208 = arith.constant 0 : i32
      %dma_wait3A_209 = tpu.memref_slice %arg7[%add3A_187, %dma_wait3A_208] : memref<40x128xi32, #tpu.memory_space<vmem>> -> memref<1x128xi32, #tpu.memory_space<vmem>>
      %dma_wait3A_210 = tpu.memref_squeeze %dma_wait3A_209 : memref<1x128xi32, #tpu.memory_space<vmem>> -> memref<128xi32, #tpu.memory_space<vmem>>
      %dma_wait3A_211 = arith.constant 0 : i32
      %dma_wait3A_212 = arith.constant 0 : i32
      %dma_wait3A_213 = tpu.memref_slice %arg10[%dma_wait3A_211, %dma_wait3A_212] : memref<10240x128xf32, #tpu.memory_space<vmem_shared>> -> memref<10240x128xf32, #tpu.memory_space<vmem_shared>>
      tpu.wait_indirect_dma semaphore(%arg14 : memref<!tpu.dma_semaphore, #tpu.memory_space<semaphore_mem>>) src(%arg9 : memref<128x128xf32, #tpu.memory_space<vmem>>) dst(%dma_wait3A_213 : memref<10240x128xf32, #tpu.memory_space<vmem_shared>>)
      %scan3A_214 = arith.constant 0 : i32
      scf.yield %scan3A_214 : i32
    }
    %scan3A_45 = arith.constant 19 : i32
    %dma_start3A_46 = arith.constant 38 : i32
    %dma_start3A_47 = arith.constant 0 : i32
    %dma_start3A_48 = tpu.memref_slice %arg7[%dma_start3A_46, %dma_start3A_47] : memref<40x128xi32, #tpu.memory_space<vmem>> -> memref<1x128xi32, #tpu.memory_space<vmem>>
    %dma_start3A_49 = tpu.memref_squeeze %dma_start3A_48 : memref<1x128xi32, #tpu.memory_space<vmem>> -> memref<128xi32, #tpu.memory_space<vmem>>
    %dma_start3A_50 = arith.constant 0 : i32
    %dma_start3A_51 = arith.constant 0 : i32
    %dma_start3A_52 = tpu.memref_slice %arg10[%dma_start3A_50, %dma_start3A_51] : memref<10240x128xf32, #tpu.memory_space<vmem_shared>> -> memref<10240x128xf32, #tpu.memory_space<vmem_shared>>
    tpu.enqueue_indirect_dma source(%arg8 : memref<128x128xf32, #tpu.memory_space<vmem>>) target(%dma_start3A_52 : memref<10240x128xf32, #tpu.memory_space<vmem_shared>>) offsets(%dma_start3A_49 : memref<128xi32, #tpu.memory_space<vmem>>) semaphore(%arg13 : memref<!tpu.dma_semaphore, #tpu.memory_space<semaphore_mem>>) {add = true}
    %dma_start3A_53 = arith.constant 39 : i32
    %dma_start3A_54 = arith.constant 0 : i32
    %dma_start3A_55 = tpu.memref_slice %arg6[%dma_start3A_53, %dma_start3A_54] : memref<40x128xi32, #tpu.memory_space<vmem>> -> memref<1x128xi32, #tpu.memory_space<vmem>>
    %dma_start3A_56 = tpu.memref_squeeze %dma_start3A_55 : memref<1x128xi32, #tpu.memory_space<vmem>> -> memref<128xi32, #tpu.memory_space<vmem>>
    %dma_start3A_57 = arith.constant 0 : i32
    %dma_start3A_58 = arith.constant 0 : i32
    %dma_start3A_59 = tpu.memref_slice %arg4[%dma_start3A_57, %dma_start3A_58] : memref<10240x128xf32, #tpu.memory_space<hbm>> -> memref<10240x128xf32, #tpu.memory_space<hbm>>
    tpu.enqueue_indirect_dma source(%dma_start3A_59 : memref<10240x128xf32, #tpu.memory_space<hbm>>) target(%arg9 : memref<128x128xf32, #tpu.memory_space<vmem>>) offsets(%dma_start3A_56 : memref<128xi32, #tpu.memory_space<vmem>>) semaphore(%arg12 : memref<!tpu.dma_semaphore, #tpu.memory_space<semaphore_mem>>)
    %dma_wait3A_60 = arith.constant 39 : i32
    %dma_wait3A_61 = arith.constant 0 : i32
    %dma_wait3A_62 = tpu.memref_slice %arg6[%dma_wait3A_60, %dma_wait3A_61] : memref<40x128xi32, #tpu.memory_space<vmem>> -> memref<1x128xi32, #tpu.memory_space<vmem>>
    %dma_wait3A_63 = tpu.memref_squeeze %dma_wait3A_62 : memref<1x128xi32, #tpu.memory_space<vmem>> -> memref<128xi32, #tpu.memory_space<vmem>>
    %dma_wait3A_64 = arith.constant 0 : i32
    %dma_wait3A_65 = arith.constant 0 : i32
    %dma_wait3A_66 = tpu.memref_slice %arg4[%dma_wait3A_64, %dma_wait3A_65] : memref<10240x128xf32, #tpu.memory_space<hbm>> -> memref<10240x128xf32, #tpu.memory_space<hbm>>
    tpu.wait_indirect_dma semaphore(%arg12 : memref<!tpu.dma_semaphore, #tpu.memory_space<semaphore_mem>>) src(%dma_wait3A_66 : memref<10240x128xf32, #tpu.memory_space<hbm>>) dst(%arg9 : memref<128x128xf32, #tpu.memory_space<vmem>>)
    %dma_wait3A_67 = arith.constant 38 : i32
    %dma_wait3A_68 = arith.constant 0 : i32
    %dma_wait3A_69 = tpu.memref_slice %arg7[%dma_wait3A_67, %dma_wait3A_68] : memref<40x128xi32, #tpu.memory_space<vmem>> -> memref<1x128xi32, #tpu.memory_space<vmem>>
    %dma_wait3A_70 = tpu.memref_squeeze %dma_wait3A_69 : memref<1x128xi32, #tpu.memory_space<vmem>> -> memref<128xi32, #tpu.memory_space<vmem>>
    %dma_wait3A_71 = arith.constant 0 : i32
    %dma_wait3A_72 = arith.constant 0 : i32
    %dma_wait3A_73 = tpu.memref_slice %arg10[%dma_wait3A_71, %dma_wait3A_72] : memref<10240x128xf32, #tpu.memory_space<vmem_shared>> -> memref<10240x128xf32, #tpu.memory_space<vmem_shared>>
    tpu.wait_indirect_dma semaphore(%arg13 : memref<!tpu.dma_semaphore, #tpu.memory_space<semaphore_mem>>) src(%arg8 : memref<128x128xf32, #tpu.memory_space<vmem>>) dst(%dma_wait3A_73 : memref<10240x128xf32, #tpu.memory_space<vmem_shared>>)
    %dma_start3A_74 = arith.constant 39 : i32
    %dma_start3A_75 = arith.constant 0 : i32
    %dma_start3A_76 = tpu.memref_slice %arg7[%dma_start3A_74, %dma_start3A_75] : memref<40x128xi32, #tpu.memory_space<vmem>> -> memref<1x128xi32, #tpu.memory_space<vmem>>
    %dma_start3A_77 = tpu.memref_squeeze %dma_start3A_76 : memref<1x128xi32, #tpu.memory_space<vmem>> -> memref<128xi32, #tpu.memory_space<vmem>>
    %dma_start3A_78 = arith.constant 0 : i32
    %dma_start3A_79 = arith.constant 0 : i32
    %dma_start3A_80 = tpu.memref_slice %arg10[%dma_start3A_78, %dma_start3A_79] : memref<10240x128xf32, #tpu.memory_space<vmem_shared>> -> memref<10240x128xf32, #tpu.memory_space<vmem_shared>>
    tpu.enqueue_indirect_dma source(%arg9 : memref<128x128xf32, #tpu.memory_space<vmem>>) target(%dma_start3A_80 : memref<10240x128xf32, #tpu.memory_space<vmem_shared>>) offsets(%dma_start3A_77 : memref<128xi32, #tpu.memory_space<vmem>>) semaphore(%arg14 : memref<!tpu.dma_semaphore, #tpu.memory_space<semaphore_mem>>) {add = true}
    %dma_wait3A_81 = arith.constant 39 : i32
    %dma_wait3A_82 = arith.constant 0 : i32
    %dma_wait3A_83 = tpu.memref_slice %arg7[%dma_wait3A_81, %dma_wait3A_82] : memref<40x128xi32, #tpu.memory_space<vmem>> -> memref<1x128xi32, #tpu.memory_space<vmem>>
    %dma_wait3A_84 = tpu.memref_squeeze %dma_wait3A_83 : memref<1x128xi32, #tpu.memory_space<vmem>> -> memref<128xi32, #tpu.memory_space<vmem>>
    %dma_wait3A_85 = arith.constant 0 : i32
    %dma_wait3A_86 = arith.constant 0 : i32
    %dma_wait3A_87 = tpu.memref_slice %arg10[%dma_wait3A_85, %dma_wait3A_86] : memref<10240x128xf32, #tpu.memory_space<vmem_shared>> -> memref<10240x128xf32, #tpu.memory_space<vmem_shared>>
    tpu.wait_indirect_dma semaphore(%arg14 : memref<!tpu.dma_semaphore, #tpu.memory_space<semaphore_mem>>) src(%arg9 : memref<128x128xf32, #tpu.memory_space<vmem>>) dst(%dma_wait3A_87 : memref<10240x128xf32, #tpu.memory_space<vmem_shared>>)
    "tpu.region"() ({
      %run_scoped3A = tpu.sem_alloc : memref<!tpu.dma_semaphore, #tpu.memory_space<semaphore_mem>>
      %dma_start3A_156 = arith.constant 40 : i32
      %dma_start3A_157 = arith.constant 0 : i32
      %dma_start3A_158 = tpu.memref_slice %arg2[%add3A, %dma_start3A_156, %dma_start3A_157] : memref<32x80x128xi32, #tpu.memory_space<hbm>> -> memref<1x40x128xi32, #tpu.memory_space<hbm>>
      %dma_start3A_159 = tpu.memref_squeeze %dma_start3A_158 : memref<1x40x128xi32, #tpu.memory_space<hbm>> -> memref<40x128xi32, #tpu.memory_space<hbm>>
      %dma_start3A_160 = arith.constant 40 : i32
      %dma_start3A_161 = arith.constant 0 : i32
      %dma_start3A_162 = tpu.memref_slice %arg2[%add3A, %dma_start3A_160, %dma_start3A_161] : memref<32x80x128xi32, #tpu.memory_space<hbm>> -> memref<1x40x128xi32, #tpu.memory_space<hbm>>
      %dma_start3A_163 = tpu.memref_squeeze %dma_start3A_162 : memref<1x40x128xi32, #tpu.memory_space<hbm>> -> memref<40x128xi32, #tpu.memory_space<hbm>>
      tpu.enqueue_dma source(%dma_start3A_163 : memref<40x128xi32, #tpu.memory_space<hbm>>) target(%arg6 : memref<40x128xi32, #tpu.memory_space<vmem>>) target_semaphore(%run_scoped3A : memref<!tpu.dma_semaphore, #tpu.memory_space<semaphore_mem>>)
      %dma_wait3A_164 = arith.constant 40 : i32
      %dma_wait3A_165 = arith.constant 0 : i32
      %dma_wait3A_166 = tpu.memref_slice %arg2[%add3A, %dma_wait3A_164, %dma_wait3A_165] : memref<32x80x128xi32, #tpu.memory_space<hbm>> -> memref<1x40x128xi32, #tpu.memory_space<hbm>>
      %dma_wait3A_167 = tpu.memref_squeeze %dma_wait3A_166 : memref<1x40x128xi32, #tpu.memory_space<hbm>> -> memref<40x128xi32, #tpu.memory_space<hbm>>
      %dma_wait3A_168 = arith.constant 40 : i32
      %dma_wait3A_169 = arith.constant 0 : i32
      %dma_wait3A_170 = tpu.memref_slice %arg2[%add3A, %dma_wait3A_168, %dma_wait3A_169] : memref<32x80x128xi32, #tpu.memory_space<hbm>> -> memref<1x40x128xi32, #tpu.memory_space<hbm>>
      %dma_wait3A_171 = tpu.memref_squeeze %dma_wait3A_170 : memref<1x40x128xi32, #tpu.memory_space<hbm>> -> memref<40x128xi32, #tpu.memory_space<hbm>>
      tpu.wait_dma2 semaphore(%run_scoped3A : memref<!tpu.dma_semaphore, #tpu.memory_space<semaphore_mem>>) src(%dma_wait3A_171 : memref<40x128xi32, #tpu.memory_space<hbm>>) dst(%arg6 : memref<40x128xi32, #tpu.memory_space<vmem>>)
      tpu.yield
    }) : () -> ()
    "tpu.region"() ({
      %run_scoped3A = tpu.sem_alloc : memref<!tpu.dma_semaphore, #tpu.memory_space<semaphore_mem>>
      %dma_start3A_156 = arith.constant 40 : i32
      %dma_start3A_157 = arith.constant 0 : i32
      %dma_start3A_158 = tpu.memref_slice %arg3[%add3A, %dma_start3A_156, %dma_start3A_157] : memref<32x80x128xi32, #tpu.memory_space<hbm>> -> memref<1x40x128xi32, #tpu.memory_space<hbm>>
      %dma_start3A_159 = tpu.memref_squeeze %dma_start3A_158 : memref<1x40x128xi32, #tpu.memory_space<hbm>> -> memref<40x128xi32, #tpu.memory_space<hbm>>
      %dma_start3A_160 = arith.constant 40 : i32
      %dma_start3A_161 = arith.constant 0 : i32
      %dma_start3A_162 = tpu.memref_slice %arg3[%add3A, %dma_start3A_160, %dma_start3A_161] : memref<32x80x128xi32, #tpu.memory_space<hbm>> -> memref<1x40x128xi32, #tpu.memory_space<hbm>>
      %dma_start3A_163 = tpu.memref_squeeze %dma_start3A_162 : memref<1x40x128xi32, #tpu.memory_space<hbm>> -> memref<40x128xi32, #tpu.memory_space<hbm>>
      tpu.enqueue_dma source(%dma_start3A_163 : memref<40x128xi32, #tpu.memory_space<hbm>>) target(%arg7 : memref<40x128xi32, #tpu.memory_space<vmem>>) target_semaphore(%run_scoped3A : memref<!tpu.dma_semaphore, #tpu.memory_space<semaphore_mem>>)
      %dma_wait3A_164 = arith.constant 40 : i32
      %dma_wait3A_165 = arith.constant 0 : i32
      %dma_wait3A_166 = tpu.memref_slice %arg3[%add3A, %dma_wait3A_164, %dma_wait3A_165] : memref<32x80x128xi32, #tpu.memory_space<hbm>> -> memref<1x40x128xi32, #tpu.memory_space<hbm>>
      %dma_wait3A_167 = tpu.memref_squeeze %dma_wait3A_166 : memref<1x40x128xi32, #tpu.memory_space<hbm>> -> memref<40x128xi32, #tpu.memory_space<hbm>>
      %dma_wait3A_168 = arith.constant 40 : i32
      %dma_wait3A_169 = arith.constant 0 : i32
      %dma_wait3A_170 = tpu.memref_slice %arg3[%add3A, %dma_wait3A_168, %dma_wait3A_169] : memref<32x80x128xi32, #tpu.memory_space<hbm>> -> memref<1x40x128xi32, #tpu.memory_space<hbm>>
      %dma_wait3A_171 = tpu.memref_squeeze %dma_wait3A_170 : memref<1x40x128xi32, #tpu.memory_space<hbm>> -> memref<40x128xi32, #tpu.memory_space<hbm>>
      tpu.wait_dma2 semaphore(%run_scoped3A : memref<!tpu.dma_semaphore, #tpu.memory_space<semaphore_mem>>) src(%dma_wait3A_171 : memref<40x128xi32, #tpu.memory_space<hbm>>) dst(%arg7 : memref<40x128xi32, #tpu.memory_space<vmem>>)
      tpu.yield
    }) : () -> ()
    %dma_start3A_88 = arith.constant 0 : i32
    %dma_start3A_89 = arith.constant 0 : i32
    %dma_start3A_90 = tpu.memref_slice %arg6[%dma_start3A_88, %dma_start3A_89] : memref<40x128xi32, #tpu.memory_space<vmem>> -> memref<1x128xi32, #tpu.memory_space<vmem>>
    %dma_start3A_91 = tpu.memref_squeeze %dma_start3A_90 : memref<1x128xi32, #tpu.memory_space<vmem>> -> memref<128xi32, #tpu.memory_space<vmem>>
    %dma_start3A_92 = arith.constant 0 : i32
    %dma_start3A_93 = arith.constant 0 : i32
    %dma_start3A_94 = tpu.memref_slice %arg4[%dma_start3A_92, %dma_start3A_93] : memref<10240x128xf32, #tpu.memory_space<hbm>> -> memref<10240x128xf32, #tpu.memory_space<hbm>>
    tpu.enqueue_indirect_dma source(%dma_start3A_94 : memref<10240x128xf32, #tpu.memory_space<hbm>>) target(%arg8 : memref<128x128xf32, #tpu.memory_space<vmem>>) offsets(%dma_start3A_91 : memref<128xi32, #tpu.memory_space<vmem>>) semaphore(%arg11 : memref<!tpu.dma_semaphore, #tpu.memory_space<semaphore_mem>>)
    %dma_wait3A_95 = arith.constant 0 : i32
    %dma_wait3A_96 = arith.constant 0 : i32
    %dma_wait3A_97 = tpu.memref_slice %arg6[%dma_wait3A_95, %dma_wait3A_96] : memref<40x128xi32, #tpu.memory_space<vmem>> -> memref<1x128xi32, #tpu.memory_space<vmem>>
    %dma_wait3A_98 = tpu.memref_squeeze %dma_wait3A_97 : memref<1x128xi32, #tpu.memory_space<vmem>> -> memref<128xi32, #tpu.memory_space<vmem>>
    %dma_wait3A_99 = arith.constant 0 : i32
    %dma_wait3A_100 = arith.constant 0 : i32
    %dma_wait3A_101 = tpu.memref_slice %arg4[%dma_wait3A_99, %dma_wait3A_100] : memref<10240x128xf32, #tpu.memory_space<hbm>> -> memref<10240x128xf32, #tpu.memory_space<hbm>>
    tpu.wait_indirect_dma semaphore(%arg11 : memref<!tpu.dma_semaphore, #tpu.memory_space<semaphore_mem>>) src(%dma_wait3A_101 : memref<10240x128xf32, #tpu.memory_space<hbm>>) dst(%arg8 : memref<128x128xf32, #tpu.memory_space<vmem>>)
    %scan3A_102 = arith.constant 0 : i32
    %scan3A_103 = arith.constant 0 : i32
    %scan3A_104 = arith.constant 19 : i32
    %scan3A_105 = arith.addi %scan3A_103, %scan3A_104 : i32
    %scan3A_106 = arith.constant 1 : i32
    %scan3A_107 = scf.for %scan3A_156 = %scan3A_103 to %scan3A_105 step %scan3A_106 iter_args(%scan3A_157 = %scan3A_102) -> (i32)  : i32 {
      %mul3A_158 = arith.constant 2 : i32
      %mul3A_159 = arith.muli %scan3A_156, %mul3A_158 : i32
      %dma_start3A_160 = arith.constant 0 : i32
      %dma_start3A_161 = tpu.memref_slice %arg7[%mul3A_159, %dma_start3A_160] : memref<40x128xi32, #tpu.memory_space<vmem>> -> memref<1x128xi32, #tpu.memory_space<vmem>>
      %dma_start3A_162 = tpu.memref_squeeze %dma_start3A_161 : memref<1x128xi32, #tpu.memory_space<vmem>> -> memref<128xi32, #tpu.memory_space<vmem>>
      %dma_start3A_163 = arith.constant 0 : i32
      %dma_start3A_164 = arith.constant 0 : i32
      %dma_start3A_165 = tpu.memref_slice %arg10[%dma_start3A_163, %dma_start3A_164] : memref<10240x128xf32, #tpu.memory_space<vmem_shared>> -> memref<10240x128xf32, #tpu.memory_space<vmem_shared>>
      tpu.enqueue_indirect_dma source(%arg8 : memref<128x128xf32, #tpu.memory_space<vmem>>) target(%dma_start3A_165 : memref<10240x128xf32, #tpu.memory_space<vmem_shared>>) offsets(%dma_start3A_162 : memref<128xi32, #tpu.memory_space<vmem>>) semaphore(%arg13 : memref<!tpu.dma_semaphore, #tpu.memory_space<semaphore_mem>>) {add = true}
      %add3A_166 = arith.constant 1 : i32
      %add3A_167 = arith.addi %mul3A_159, %add3A_166 : i32
      %dma_start3A_168 = arith.constant 0 : i32
      %dma_start3A_169 = tpu.memref_slice %arg6[%add3A_167, %dma_start3A_168] : memref<40x128xi32, #tpu.memory_space<vmem>> -> memref<1x128xi32, #tpu.memory_space<vmem>>
      %dma_start3A_170 = tpu.memref_squeeze %dma_start3A_169 : memref<1x128xi32, #tpu.memory_space<vmem>> -> memref<128xi32, #tpu.memory_space<vmem>>
      %dma_start3A_171 = arith.constant 0 : i32
      %dma_start3A_172 = arith.constant 0 : i32
      %dma_start3A_173 = tpu.memref_slice %arg4[%dma_start3A_171, %dma_start3A_172] : memref<10240x128xf32, #tpu.memory_space<hbm>> -> memref<10240x128xf32, #tpu.memory_space<hbm>>
      tpu.enqueue_indirect_dma source(%dma_start3A_173 : memref<10240x128xf32, #tpu.memory_space<hbm>>) target(%arg9 : memref<128x128xf32, #tpu.memory_space<vmem>>) offsets(%dma_start3A_170 : memref<128xi32, #tpu.memory_space<vmem>>) semaphore(%arg12 : memref<!tpu.dma_semaphore, #tpu.memory_space<semaphore_mem>>)
      %dma_wait3A_174 = arith.constant 0 : i32
      %dma_wait3A_175 = tpu.memref_slice %arg6[%add3A_167, %dma_wait3A_174] : memref<40x128xi32, #tpu.memory_space<vmem>> -> memref<1x128xi32, #tpu.memory_space<vmem>>
      %dma_wait3A_176 = tpu.memref_squeeze %dma_wait3A_175 : memref<1x128xi32, #tpu.memory_space<vmem>> -> memref<128xi32, #tpu.memory_space<vmem>>
      %dma_wait3A_177 = arith.constant 0 : i32
      %dma_wait3A_178 = arith.constant 0 : i32
      %dma_wait3A_179 = tpu.memref_slice %arg4[%dma_wait3A_177, %dma_wait3A_178] : memref<10240x128xf32, #tpu.memory_space<hbm>> -> memref<10240x128xf32, #tpu.memory_space<hbm>>
      tpu.wait_indirect_dma semaphore(%arg12 : memref<!tpu.dma_semaphore, #tpu.memory_space<semaphore_mem>>) src(%dma_wait3A_179 : memref<10240x128xf32, #tpu.memory_space<hbm>>) dst(%arg9 : memref<128x128xf32, #tpu.memory_space<vmem>>)
      %dma_wait3A_180 = arith.constant 0 : i32
      %dma_wait3A_181 = tpu.memref_slice %arg7[%mul3A_159, %dma_wait3A_180] : memref<40x128xi32, #tpu.memory_space<vmem>> -> memref<1x128xi32, #tpu.memory_space<vmem>>
      %dma_wait3A_182 = tpu.memref_squeeze %dma_wait3A_181 : memref<1x128xi32, #tpu.memory_space<vmem>> -> memref<128xi32, #tpu.memory_space<vmem>>
      %dma_wait3A_183 = arith.constant 0 : i32
      %dma_wait3A_184 = arith.constant 0 : i32
      %dma_wait3A_185 = tpu.memref_slice %arg10[%dma_wait3A_183, %dma_wait3A_184] : memref<10240x128xf32, #tpu.memory_space<vmem_shared>> -> memref<10240x128xf32, #tpu.memory_space<vmem_shared>>
      tpu.wait_indirect_dma semaphore(%arg13 : memref<!tpu.dma_semaphore, #tpu.memory_space<semaphore_mem>>) src(%arg8 : memref<128x128xf32, #tpu.memory_space<vmem>>) dst(%dma_wait3A_185 : memref<10240x128xf32, #tpu.memory_space<vmem_shared>>)
      %add3A_186 = arith.constant 1 : i32
      %add3A_187 = arith.addi %mul3A_159, %add3A_186 : i32
      %dma_start3A_188 = arith.constant 0 : i32
      %dma_start3A_189 = tpu.memref_slice %arg7[%add3A_187, %dma_start3A_188] : memref<40x128xi32, #tpu.memory_space<vmem>> -> memref<1x128xi32, #tpu.memory_space<vmem>>
      %dma_start3A_190 = tpu.memref_squeeze %dma_start3A_189 : memref<1x128xi32, #tpu.memory_space<vmem>> -> memref<128xi32, #tpu.memory_space<vmem>>
      %dma_start3A_191 = arith.constant 0 : i32
      %dma_start3A_192 = arith.constant 0 : i32
      %dma_start3A_193 = tpu.memref_slice %arg10[%dma_start3A_191, %dma_start3A_192] : memref<10240x128xf32, #tpu.memory_space<vmem_shared>> -> memref<10240x128xf32, #tpu.memory_space<vmem_shared>>
      tpu.enqueue_indirect_dma source(%arg9 : memref<128x128xf32, #tpu.memory_space<vmem>>) target(%dma_start3A_193 : memref<10240x128xf32, #tpu.memory_space<vmem_shared>>) offsets(%dma_start3A_190 : memref<128xi32, #tpu.memory_space<vmem>>) semaphore(%arg14 : memref<!tpu.dma_semaphore, #tpu.memory_space<semaphore_mem>>) {add = true}
      %add3A_194 = arith.constant 2 : i32
      %add3A_195 = arith.addi %mul3A_159, %add3A_194 : i32
      %dma_start3A_196 = arith.constant 0 : i32
      %dma_start3A_197 = tpu.memref_slice %arg6[%add3A_195, %dma_start3A_196] : memref<40x128xi32, #tpu.memory_space<vmem>> -> memref<1x128xi32, #tpu.memory_space<vmem>>
      %dma_start3A_198 = tpu.memref_squeeze %dma_start3A_197 : memref<1x128xi32, #tpu.memory_space<vmem>> -> memref<128xi32, #tpu.memory_space<vmem>>
      %dma_start3A_199 = arith.constant 0 : i32
      %dma_start3A_200 = arith.constant 0 : i32
      %dma_start3A_201 = tpu.memref_slice %arg4[%dma_start3A_199, %dma_start3A_200] : memref<10240x128xf32, #tpu.memory_space<hbm>> -> memref<10240x128xf32, #tpu.memory_space<hbm>>
      tpu.enqueue_indirect_dma source(%dma_start3A_201 : memref<10240x128xf32, #tpu.memory_space<hbm>>) target(%arg8 : memref<128x128xf32, #tpu.memory_space<vmem>>) offsets(%dma_start3A_198 : memref<128xi32, #tpu.memory_space<vmem>>) semaphore(%arg11 : memref<!tpu.dma_semaphore, #tpu.memory_space<semaphore_mem>>)
      %dma_wait3A_202 = arith.constant 0 : i32
      %dma_wait3A_203 = tpu.memref_slice %arg6[%add3A_195, %dma_wait3A_202] : memref<40x128xi32, #tpu.memory_space<vmem>> -> memref<1x128xi32, #tpu.memory_space<vmem>>
      %dma_wait3A_204 = tpu.memref_squeeze %dma_wait3A_203 : memref<1x128xi32, #tpu.memory_space<vmem>> -> memref<128xi32, #tpu.memory_space<vmem>>
      %dma_wait3A_205 = arith.constant 0 : i32
      %dma_wait3A_206 = arith.constant 0 : i32
      %dma_wait3A_207 = tpu.memref_slice %arg4[%dma_wait3A_205, %dma_wait3A_206] : memref<10240x128xf32, #tpu.memory_space<hbm>> -> memref<10240x128xf32, #tpu.memory_space<hbm>>
      tpu.wait_indirect_dma semaphore(%arg11 : memref<!tpu.dma_semaphore, #tpu.memory_space<semaphore_mem>>) src(%dma_wait3A_207 : memref<10240x128xf32, #tpu.memory_space<hbm>>) dst(%arg8 : memref<128x128xf32, #tpu.memory_space<vmem>>)
      %dma_wait3A_208 = arith.constant 0 : i32
      %dma_wait3A_209 = tpu.memref_slice %arg7[%add3A_187, %dma_wait3A_208] : memref<40x128xi32, #tpu.memory_space<vmem>> -> memref<1x128xi32, #tpu.memory_space<vmem>>
      %dma_wait3A_210 = tpu.memref_squeeze %dma_wait3A_209 : memref<1x128xi32, #tpu.memory_space<vmem>> -> memref<128xi32, #tpu.memory_space<vmem>>
      %dma_wait3A_211 = arith.constant 0 : i32
      %dma_wait3A_212 = arith.constant 0 : i32
      %dma_wait3A_213 = tpu.memref_slice %arg10[%dma_wait3A_211, %dma_wait3A_212] : memref<10240x128xf32, #tpu.memory_space<vmem_shared>> -> memref<10240x128xf32, #tpu.memory_space<vmem_shared>>
      tpu.wait_indirect_dma semaphore(%arg14 : memref<!tpu.dma_semaphore, #tpu.memory_space<semaphore_mem>>) src(%arg9 : memref<128x128xf32, #tpu.memory_space<vmem>>) dst(%dma_wait3A_213 : memref<10240x128xf32, #tpu.memory_space<vmem_shared>>)
      %scan3A_214 = arith.constant 0 : i32
      scf.yield %scan3A_214 : i32
    }
    %scan3A_108 = arith.constant 19 : i32
    %dma_start3A_109 = arith.constant 38 : i32
    %dma_start3A_110 = arith.constant 0 : i32
    %dma_start3A_111 = tpu.memref_slice %arg7[%dma_start3A_109, %dma_start3A_110] : memref<40x128xi32, #tpu.memory_space<vmem>> -> memref<1x128xi32, #tpu.memory_space<vmem>>
    %dma_start3A_112 = tpu.memref_squeeze %dma_start3A_111 : memref<1x128xi32, #tpu.memory_space<vmem>> -> memref<128xi32, #tpu.memory_space<vmem>>
    %dma_start3A_113 = arith.constant 0 : i32
    %dma_start3A_114 = arith.constant 0 : i32
    %dma_start3A_115 = tpu.memref_slice %arg10[%dma_start3A_113, %dma_start3A_114] : memref<10240x128xf32, #tpu.memory_space<vmem_shared>> -> memref<10240x128xf32, #tpu.memory_space<vmem_shared>>
    tpu.enqueue_indirect_dma source(%arg8 : memref<128x128xf32, #tpu.memory_space<vmem>>) target(%dma_start3A_115 : memref<10240x128xf32, #tpu.memory_space<vmem_shared>>) offsets(%dma_start3A_112 : memref<128xi32, #tpu.memory_space<vmem>>) semaphore(%arg13 : memref<!tpu.dma_semaphore, #tpu.memory_space<semaphore_mem>>) {add = true}
    %dma_start3A_116 = arith.constant 39 : i32
    %dma_start3A_117 = arith.constant 0 : i32
    %dma_start3A_118 = tpu.memref_slice %arg6[%dma_start3A_116, %dma_start3A_117] : memref<40x128xi32, #tpu.memory_space<vmem>> -> memref<1x128xi32, #tpu.memory_space<vmem>>
    %dma_start3A_119 = tpu.memref_squeeze %dma_start3A_118 : memref<1x128xi32, #tpu.memory_space<vmem>> -> memref<128xi32, #tpu.memory_space<vmem>>
    %dma_start3A_120 = arith.constant 0 : i32
    %dma_start3A_121 = arith.constant 0 : i32
    %dma_start3A_122 = tpu.memref_slice %arg4[%dma_start3A_120, %dma_start3A_121] : memref<10240x128xf32, #tpu.memory_space<hbm>> -> memref<10240x128xf32, #tpu.memory_space<hbm>>
    tpu.enqueue_indirect_dma source(%dma_start3A_122 : memref<10240x128xf32, #tpu.memory_space<hbm>>) target(%arg9 : memref<128x128xf32, #tpu.memory_space<vmem>>) offsets(%dma_start3A_119 : memref<128xi32, #tpu.memory_space<vmem>>) semaphore(%arg12 : memref<!tpu.dma_semaphore, #tpu.memory_space<semaphore_mem>>)
    %dma_wait3A_123 = arith.constant 39 : i32
    %dma_wait3A_124 = arith.constant 0 : i32
    %dma_wait3A_125 = tpu.memref_slice %arg6[%dma_wait3A_123, %dma_wait3A_124] : memref<40x128xi32, #tpu.memory_space<vmem>> -> memref<1x128xi32, #tpu.memory_space<vmem>>
    %dma_wait3A_126 = tpu.memref_squeeze %dma_wait3A_125 : memref<1x128xi32, #tpu.memory_space<vmem>> -> memref<128xi32, #tpu.memory_space<vmem>>
    %dma_wait3A_127 = arith.constant 0 : i32
    %dma_wait3A_128 = arith.constant 0 : i32
    %dma_wait3A_129 = tpu.memref_slice %arg4[%dma_wait3A_127, %dma_wait3A_128] : memref<10240x128xf32, #tpu.memory_space<hbm>> -> memref<10240x128xf32, #tpu.memory_space<hbm>>
    tpu.wait_indirect_dma semaphore(%arg12 : memref<!tpu.dma_semaphore, #tpu.memory_space<semaphore_mem>>) src(%dma_wait3A_129 : memref<10240x128xf32, #tpu.memory_space<hbm>>) dst(%arg9 : memref<128x128xf32, #tpu.memory_space<vmem>>)
    %dma_wait3A_130 = arith.constant 38 : i32
    %dma_wait3A_131 = arith.constant 0 : i32
    %dma_wait3A_132 = tpu.memref_slice %arg7[%dma_wait3A_130, %dma_wait3A_131] : memref<40x128xi32, #tpu.memory_space<vmem>> -> memref<1x128xi32, #tpu.memory_space<vmem>>
    %dma_wait3A_133 = tpu.memref_squeeze %dma_wait3A_132 : memref<1x128xi32, #tpu.memory_space<vmem>> -> memref<128xi32, #tpu.memory_space<vmem>>
    %dma_wait3A_134 = arith.constant 0 : i32
    %dma_wait3A_135 = arith.constant 0 : i32
    %dma_wait3A_136 = tpu.memref_slice %arg10[%dma_wait3A_134, %dma_wait3A_135] : memref<10240x128xf32, #tpu.memory_space<vmem_shared>> -> memref<10240x128xf32, #tpu.memory_space<vmem_shared>>
    tpu.wait_indirect_dma semaphore(%arg13 : memref<!tpu.dma_semaphore, #tpu.memory_space<semaphore_mem>>) src(%arg8 : memref<128x128xf32, #tpu.memory_space<vmem>>) dst(%dma_wait3A_136 : memref<10240x128xf32, #tpu.memory_space<vmem_shared>>)
    %dma_start3A_137 = arith.constant 39 : i32
    %dma_start3A_138 = arith.constant 0 : i32
    %dma_start3A_139 = tpu.memref_slice %arg7[%dma_start3A_137, %dma_start3A_138] : memref<40x128xi32, #tpu.memory_space<vmem>> -> memref<1x128xi32, #tpu.memory_space<vmem>>
    %dma_start3A_140 = tpu.memref_squeeze %dma_start3A_139 : memref<1x128xi32, #tpu.memory_space<vmem>> -> memref<128xi32, #tpu.memory_space<vmem>>
    %dma_start3A_141 = arith.constant 0 : i32
    %dma_start3A_142 = arith.constant 0 : i32
    %dma_start3A_143 = tpu.memref_slice %arg10[%dma_start3A_141, %dma_start3A_142] : memref<10240x128xf32, #tpu.memory_space<vmem_shared>> -> memref<10240x128xf32, #tpu.memory_space<vmem_shared>>
    tpu.enqueue_indirect_dma source(%arg9 : memref<128x128xf32, #tpu.memory_space<vmem>>) target(%dma_start3A_143 : memref<10240x128xf32, #tpu.memory_space<vmem_shared>>) offsets(%dma_start3A_140 : memref<128xi32, #tpu.memory_space<vmem>>) semaphore(%arg14 : memref<!tpu.dma_semaphore, #tpu.memory_space<semaphore_mem>>) {add = true}
    %dma_wait3A_144 = arith.constant 39 : i32
    %dma_wait3A_145 = arith.constant 0 : i32
    %dma_wait3A_146 = tpu.memref_slice %arg7[%dma_wait3A_144, %dma_wait3A_145] : memref<40x128xi32, #tpu.memory_space<vmem>> -> memref<1x128xi32, #tpu.memory_space<vmem>>
    %dma_wait3A_147 = tpu.memref_squeeze %dma_wait3A_146 : memref<1x128xi32, #tpu.memory_space<vmem>> -> memref<128xi32, #tpu.memory_space<vmem>>
    %dma_wait3A_148 = arith.constant 0 : i32
    %dma_wait3A_149 = arith.constant 0 : i32
    %dma_wait3A_150 = tpu.memref_slice %arg10[%dma_wait3A_148, %dma_wait3A_149] : memref<10240x128xf32, #tpu.memory_space<vmem_shared>> -> memref<10240x128xf32, #tpu.memory_space<vmem_shared>>
    tpu.wait_indirect_dma semaphore(%arg14 : memref<!tpu.dma_semaphore, #tpu.memory_space<semaphore_mem>>) src(%arg9 : memref<128x128xf32, #tpu.memory_space<vmem>>) dst(%dma_wait3A_150 : memref<10240x128xf32, #tpu.memory_space<vmem_shared>>)
    %barrier3A_151 = arith.constant 0 : index
    tpu.barrier barrier_id(%barrier3A_151)
    %mul3A_152 = arith.constant 640 : i32
    %mul3A_153 = arith.muli %arg1, %mul3A_152 : i32
    %mul3A_154 = arith.constant 640 : i32
    %mul3A_155 = arith.muli %arg1, %mul3A_154 : i32
    "tpu.region"() ({
      %run_scoped3A = tpu.sem_alloc : memref<!tpu.dma_semaphore, #tpu.memory_space<semaphore_mem>>
      %dma_start3A_156 = arith.constant 0 : i32
      %dma_start3A_157 = tpu.memref_slice %arg5[%arg0, %mul3A_155, %dma_start3A_156] : memref<2x10240x128xf32, #tpu.memory_space<hbm>> -> memref<1x640x128xf32, #tpu.memory_space<hbm>>
      %dma_start3A_158 = tpu.memref_squeeze %dma_start3A_157 : memref<1x640x128xf32, #tpu.memory_space<hbm>> -> memref<640x128xf32, #tpu.memory_space<hbm>>
      %dma_start3A_159 = arith.constant 0 : i32
      %dma_start3A_160 = tpu.memref_slice %arg10[%mul3A_153, %dma_start3A_159] : memref<10240x128xf32, #tpu.memory_space<vmem_shared>> -> memref<640x128xf32, #tpu.memory_space<vmem_shared>>
      tpu.enqueue_dma source(%dma_start3A_160 : memref<640x128xf32, #tpu.memory_space<vmem_shared>>) target(%dma_start3A_158 : memref<640x128xf32, #tpu.memory_space<hbm>>) target_semaphore(%run_scoped3A : memref<!tpu.dma_semaphore, #tpu.memory_space<semaphore_mem>>)
      %dma_wait3A_161 = arith.constant 0 : i32
      %dma_wait3A_162 = tpu.memref_slice %arg5[%arg0, %mul3A_155, %dma_wait3A_161] : memref<2x10240x128xf32, #tpu.memory_space<hbm>> -> memref<1x640x128xf32, #tpu.memory_space<hbm>>
      %dma_wait3A_163 = tpu.memref_squeeze %dma_wait3A_162 : memref<1x640x128xf32, #tpu.memory_space<hbm>> -> memref<640x128xf32, #tpu.memory_space<hbm>>
      %dma_wait3A_164 = arith.constant 0 : i32
      %dma_wait3A_165 = tpu.memref_slice %arg10[%mul3A_153, %dma_wait3A_164] : memref<10240x128xf32, #tpu.memory_space<vmem_shared>> -> memref<640x128xf32, #tpu.memory_space<vmem_shared>>
      tpu.wait_dma2 semaphore(%run_scoped3A : memref<!tpu.dma_semaphore, #tpu.memory_space<semaphore_mem>>) src(%dma_wait3A_165 : memref<640x128xf32, #tpu.memory_space<vmem_shared>>) dst(%dma_wait3A_163 : memref<640x128xf32, #tpu.memory_space<hbm>>)
      tpu.yield
    }) : () -> ()
    return
  }
}

#map = affine_map<(d0, d1) -> (0, 0, 0)>
#map1 = affine_map<(d0, d1) -> (0, 0)>
module attributes {stable_mosaic.version = 14 : i64} {
  func.func @_deg_body(%arg0: i32, %arg1: i32, %arg2: memref<16x160x128xi32, #tpu.memory_space<hbm>>, %arg3: memref<10240x128xf32, #tpu.memory_space<hbm>>, %arg4: memref<80x128xi32, #tpu.memory_space<vmem>>, %arg5: memref<10240xf32, #tpu.memory_space<vmem>>, %arg6: memref<16x640xf32, #tpu.memory_space<vmem>>, %arg7: memref<640xf32, #tpu.memory_space<vmem>>, %arg8: memref<128x128xf32, #tpu.memory_space<vmem>>, %arg9: memref<16x10240xf32, #tpu.memory_space<vmem_shared>>) attributes {dimension_semantics = [#tpu.dimension_semantics<core_parallel>, #tpu.dimension_semantics<subcore_parallel>], iteration_bounds = array<i64: 2, 16>, scalar_prefetch = 0 : i64, scratch_operands = 6 : i64, tpu.core_type = #tpu.core_type<sc_vector_subcore>, window_params = [{transform_indices = #map}, {transform_indices = #map1}]} {
    %scan3A = arith.constant 0 : i32
    %scan3A_0 = arith.constant 0 : i32
    %scan3A_1 = arith.constant 640 : i32
    %scan3A_2 = arith.addi %scan3A_0, %scan3A_1 : i32
    %scan3A_3 = arith.constant 1 : i32
    %scan3A_4 = scf.for %scan3A_31 = %scan3A_0 to %scan3A_2 step %scan3A_3 iter_args(%scan3A_32 = %scan3A) -> (i32)  : i32 {
      %broadcast_in_dim3A_33 = arith.constant 0.000000e+00 : f32
      %broadcast_in_dim3A_34 = vector.broadcast %broadcast_in_dim3A_33 : f32 to vector<16xf32>
      %mul3A_35 = arith.constant 16 : i32
      %mul3A_36 = arith.muli %scan3A_31, %mul3A_35 : i32
      %swap3A = arith.index_cast %mul3A_36 : i32 to index
      %swap3A_37 = tpu.vector_load %arg5[%swap3A] {strides = array<i32>} : memref<10240xf32, #tpu.memory_space<vmem>>, vector<16xf32>,
      tpu.vector_store %arg5[%swap3A], %broadcast_in_dim3A_34 {strides = array<i32>} : memref<10240xf32, #tpu.memory_space<vmem>>, vector<16xf32>,
      %scan3A_38 = arith.constant 0 : i32
      scf.yield %scan3A_38 : i32
    }
    %scan3A_5 = arith.constant 640 : i32
    %broadcast_in_dim3A = arith.constant 1.000000e+00 : f32
    %broadcast_in_dim3A_6 = vector.broadcast %broadcast_in_dim3A : f32 to vector<16xf32>
    "tpu.region"() ({
      %run_scoped3A = tpu.sem_alloc : memref<!tpu.dma_semaphore, #tpu.memory_space<semaphore_mem>>
      %dma_start3A = arith.constant 0 : i32
      %dma_start3A_31 = arith.constant 0 : i32
      %dma_start3A_32 = tpu.memref_slice %arg2[%arg1, %dma_start3A, %dma_start3A_31] : memref<16x160x128xi32, #tpu.memory_space<hbm>> -> memref<1x80x128xi32, #tpu.memory_space<hbm>>
      %dma_start3A_33 = tpu.memref_squeeze %dma_start3A_32 : memref<1x80x128xi32, #tpu.memory_space<hbm>> -> memref<80x128xi32, #tpu.memory_space<hbm>>
      %dma_start3A_34 = arith.constant 0 : i32
      %dma_start3A_35 = arith.constant 0 : i32
      %dma_start3A_36 = tpu.memref_slice %arg2[%arg1, %dma_start3A_34, %dma_start3A_35] : memref<16x160x128xi32, #tpu.memory_space<hbm>> -> memref<1x80x128xi32, #tpu.memory_space<hbm>>
      %dma_start3A_37 = tpu.memref_squeeze %dma_start3A_36 : memref<1x80x128xi32, #tpu.memory_space<hbm>> -> memref<80x128xi32, #tpu.memory_space<hbm>>
      tpu.enqueue_dma source(%dma_start3A_37 : memref<80x128xi32, #tpu.memory_space<hbm>>) target(%arg4 : memref<80x128xi32, #tpu.memory_space<vmem>>) target_semaphore(%run_scoped3A : memref<!tpu.dma_semaphore, #tpu.memory_space<semaphore_mem>>)
      %dma_wait3A = arith.constant 0 : i32
      %dma_wait3A_38 = arith.constant 0 : i32
      %dma_wait3A_39 = tpu.memref_slice %arg2[%arg1, %dma_wait3A, %dma_wait3A_38] : memref<16x160x128xi32, #tpu.memory_space<hbm>> -> memref<1x80x128xi32, #tpu.memory_space<hbm>>
      %dma_wait3A_40 = tpu.memref_squeeze %dma_wait3A_39 : memref<1x80x128xi32, #tpu.memory_space<hbm>> -> memref<80x128xi32, #tpu.memory_space<hbm>>
      %dma_wait3A_41 = arith.constant 0 : i32
      %dma_wait3A_42 = arith.constant 0 : i32
      %dma_wait3A_43 = tpu.memref_slice %arg2[%arg1, %dma_wait3A_41, %dma_wait3A_42] : memref<16x160x128xi32, #tpu.memory_space<hbm>> -> memref<1x80x128xi32, #tpu.memory_space<hbm>>
      %dma_wait3A_44 = tpu.memref_squeeze %dma_wait3A_43 : memref<1x80x128xi32, #tpu.memory_space<hbm>> -> memref<80x128xi32, #tpu.memory_space<hbm>>
      tpu.wait_dma2 semaphore(%run_scoped3A : memref<!tpu.dma_semaphore, #tpu.memory_space<semaphore_mem>>) src(%dma_wait3A_44 : memref<80x128xi32, #tpu.memory_space<hbm>>) dst(%arg4 : memref<80x128xi32, #tpu.memory_space<vmem>>)
      tpu.yield
    }) : () -> ()
    %scan3A_7 = arith.constant 0 : i32
    %scan3A_8 = arith.constant 0 : i32
    %scan3A_9 = arith.constant 80 : i32
    %scan3A_10 = arith.addi %scan3A_8, %scan3A_9 : i32
    %scan3A_11 = arith.constant 1 : i32
    %scan3A_12 = scf.for %scan3A_31 = %scan3A_8 to %scan3A_10 step %scan3A_11 iter_args(%scan3A_32 = %scan3A_7) -> (i32)  : i32 {
      %get3A = arith.index_cast %scan3A_31 : i32 to index
      %get3A_33 = arith.constant 0 : index
      %get3A_34 = tpu.vector_load %arg4[%get3A, %get3A_33] {strides = array<i32>} : memref<80x128xi32, #tpu.memory_space<vmem>>, vector<16xi32>,
      tpu.vector_store_idx %arg5[%get3A_34], %broadcast_in_dim3A_6 {add = true} : memref<10240xf32, #tpu.memory_space<vmem>>[vector<16xi32>], vector<16xf32>,
      %get3A_35 = arith.index_cast %scan3A_31 : i32 to index
      %get3A_36 = arith.constant 16 : index
      %get3A_37 = tpu.vector_load %arg4[%get3A_35, %get3A_36] {strides = array<i32>} : memref<80x128xi32, #tpu.memory_space<vmem>>, vector<16xi32>,
      tpu.vector_store_idx %arg5[%get3A_37], %broadcast_in_dim3A_6 {add = true} : memref<10240xf32, #tpu.memory_space<vmem>>[vector<16xi32>], vector<16xf32>,
      %get3A_38 = arith.index_cast %scan3A_31 : i32 to index
      %get3A_39 = arith.constant 32 : index
      %get3A_40 = tpu.vector_load %arg4[%get3A_38, %get3A_39] {strides = array<i32>} : memref<80x128xi32, #tpu.memory_space<vmem>>, vector<16xi32>,
      tpu.vector_store_idx %arg5[%get3A_40], %broadcast_in_dim3A_6 {add = true} : memref<10240xf32, #tpu.memory_space<vmem>>[vector<16xi32>], vector<16xf32>,
      %get3A_41 = arith.index_cast %scan3A_31 : i32 to index
      %get3A_42 = arith.constant 48 : index
      %get3A_43 = tpu.vector_load %arg4[%get3A_41, %get3A_42] {strides = array<i32>} : memref<80x128xi32, #tpu.memory_space<vmem>>, vector<16xi32>,
      tpu.vector_store_idx %arg5[%get3A_43], %broadcast_in_dim3A_6 {add = true} : memref<10240xf32, #tpu.memory_space<vmem>>[vector<16xi32>], vector<16xf32>,
      %get3A_44 = arith.index_cast %scan3A_31 : i32 to index
      %get3A_45 = arith.constant 64 : index
      %get3A_46 = tpu.vector_load %arg4[%get3A_44, %get3A_45] {strides = array<i32>} : memref<80x128xi32, #tpu.memory_space<vmem>>, vector<16xi32>,
      tpu.vector_store_idx %arg5[%get3A_46], %broadcast_in_dim3A_6 {add = true} : memref<10240xf32, #tpu.memory_space<vmem>>[vector<16xi32>], vector<16xf32>,
      %get3A_47 = arith.index_cast %scan3A_31 : i32 to index
      %get3A_48 = arith.constant 80 : index
      %get3A_49 = tpu.vector_load %arg4[%get3A_47, %get3A_48] {strides = array<i32>} : memref<80x128xi32, #tpu.memory_space<vmem>>, vector<16xi32>,
      tpu.vector_store_idx %arg5[%get3A_49], %broadcast_in_dim3A_6 {add = true} : memref<10240xf32, #tpu.memory_space<vmem>>[vector<16xi32>], vector<16xf32>,
      %get3A_50 = arith.index_cast %scan3A_31 : i32 to index
      %get3A_51 = arith.constant 96 : index
      %get3A_52 = tpu.vector_load %arg4[%get3A_50, %get3A_51] {strides = array<i32>} : memref<80x128xi32, #tpu.memory_space<vmem>>, vector<16xi32>,
      tpu.vector_store_idx %arg5[%get3A_52], %broadcast_in_dim3A_6 {add = true} : memref<10240xf32, #tpu.memory_space<vmem>>[vector<16xi32>], vector<16xf32>,
      %get3A_53 = arith.index_cast %scan3A_31 : i32 to index
      %get3A_54 = arith.constant 112 : index
      %get3A_55 = tpu.vector_load %arg4[%get3A_53, %get3A_54] {strides = array<i32>} : memref<80x128xi32, #tpu.memory_space<vmem>>, vector<16xi32>,
      tpu.vector_store_idx %arg5[%get3A_55], %broadcast_in_dim3A_6 {add = true} : memref<10240xf32, #tpu.memory_space<vmem>>[vector<16xi32>], vector<16xf32>,
      %scan3A_56 = arith.constant 0 : i32
      scf.yield %scan3A_56 : i32
    }
    %scan3A_13 = arith.constant 80 : i32
    "tpu.region"() ({
      %run_scoped3A = tpu.sem_alloc : memref<!tpu.dma_semaphore, #tpu.memory_space<semaphore_mem>>
      %dma_start3A = arith.constant 80 : i32
      %dma_start3A_31 = arith.constant 0 : i32
      %dma_start3A_32 = tpu.memref_slice %arg2[%arg1, %dma_start3A, %dma_start3A_31] : memref<16x160x128xi32, #tpu.memory_space<hbm>> -> memref<1x80x128xi32, #tpu.memory_space<hbm>>
      %dma_start3A_33 = tpu.memref_squeeze %dma_start3A_32 : memref<1x80x128xi32, #tpu.memory_space<hbm>> -> memref<80x128xi32, #tpu.memory_space<hbm>>
      %dma_start3A_34 = arith.constant 80 : i32
      %dma_start3A_35 = arith.constant 0 : i32
      %dma_start3A_36 = tpu.memref_slice %arg2[%arg1, %dma_start3A_34, %dma_start3A_35] : memref<16x160x128xi32, #tpu.memory_space<hbm>> -> memref<1x80x128xi32, #tpu.memory_space<hbm>>
      %dma_start3A_37 = tpu.memref_squeeze %dma_start3A_36 : memref<1x80x128xi32, #tpu.memory_space<hbm>> -> memref<80x128xi32, #tpu.memory_space<hbm>>
      tpu.enqueue_dma source(%dma_start3A_37 : memref<80x128xi32, #tpu.memory_space<hbm>>) target(%arg4 : memref<80x128xi32, #tpu.memory_space<vmem>>) target_semaphore(%run_scoped3A : memref<!tpu.dma_semaphore, #tpu.memory_space<semaphore_mem>>)
      %dma_wait3A = arith.constant 80 : i32
      %dma_wait3A_38 = arith.constant 0 : i32
      %dma_wait3A_39 = tpu.memref_slice %arg2[%arg1, %dma_wait3A, %dma_wait3A_38] : memref<16x160x128xi32, #tpu.memory_space<hbm>> -> memref<1x80x128xi32, #tpu.memory_space<hbm>>
      %dma_wait3A_40 = tpu.memref_squeeze %dma_wait3A_39 : memref<1x80x128xi32, #tpu.memory_space<hbm>> -> memref<80x128xi32, #tpu.memory_space<hbm>>
      %dma_wait3A_41 = arith.constant 80 : i32
      %dma_wait3A_42 = arith.constant 0 : i32
      %dma_wait3A_43 = tpu.memref_slice %arg2[%arg1, %dma_wait3A_41, %dma_wait3A_42] : memref<16x160x128xi32, #tpu.memory_space<hbm>> -> memref<1x80x128xi32, #tpu.memory_space<hbm>>
      %dma_wait3A_44 = tpu.memref_squeeze %dma_wait3A_43 : memref<1x80x128xi32, #tpu.memory_space<hbm>> -> memref<80x128xi32, #tpu.memory_space<hbm>>
      tpu.wait_dma2 semaphore(%run_scoped3A : memref<!tpu.dma_semaphore, #tpu.memory_space<semaphore_mem>>) src(%dma_wait3A_44 : memref<80x128xi32, #tpu.memory_space<hbm>>) dst(%arg4 : memref<80x128xi32, #tpu.memory_space<vmem>>)
      tpu.yield
    }) : () -> ()
    %scan3A_14 = arith.constant 0 : i32
    %scan3A_15 = arith.constant 0 : i32
    %scan3A_16 = arith.constant 80 : i32
    %scan3A_17 = arith.addi %scan3A_15, %scan3A_16 : i32
    %scan3A_18 = arith.constant 1 : i32
    %scan3A_19 = scf.for %scan3A_31 = %scan3A_15 to %scan3A_17 step %scan3A_18 iter_args(%scan3A_32 = %scan3A_14) -> (i32)  : i32 {
      %get3A = arith.index_cast %scan3A_31 : i32 to index
      %get3A_33 = arith.constant 0 : index
      %get3A_34 = tpu.vector_load %arg4[%get3A, %get3A_33] {strides = array<i32>} : memref<80x128xi32, #tpu.memory_space<vmem>>, vector<16xi32>,
      tpu.vector_store_idx %arg5[%get3A_34], %broadcast_in_dim3A_6 {add = true} : memref<10240xf32, #tpu.memory_space<vmem>>[vector<16xi32>], vector<16xf32>,
      %get3A_35 = arith.index_cast %scan3A_31 : i32 to index
      %get3A_36 = arith.constant 16 : index
      %get3A_37 = tpu.vector_load %arg4[%get3A_35, %get3A_36] {strides = array<i32>} : memref<80x128xi32, #tpu.memory_space<vmem>>, vector<16xi32>,
      tpu.vector_store_idx %arg5[%get3A_37], %broadcast_in_dim3A_6 {add = true} : memref<10240xf32, #tpu.memory_space<vmem>>[vector<16xi32>], vector<16xf32>,
      %get3A_38 = arith.index_cast %scan3A_31 : i32 to index
      %get3A_39 = arith.constant 32 : index
      %get3A_40 = tpu.vector_load %arg4[%get3A_38, %get3A_39] {strides = array<i32>} : memref<80x128xi32, #tpu.memory_space<vmem>>, vector<16xi32>,
      tpu.vector_store_idx %arg5[%get3A_40], %broadcast_in_dim3A_6 {add = true} : memref<10240xf32, #tpu.memory_space<vmem>>[vector<16xi32>], vector<16xf32>,
      %get3A_41 = arith.index_cast %scan3A_31 : i32 to index
      %get3A_42 = arith.constant 48 : index
      %get3A_43 = tpu.vector_load %arg4[%get3A_41, %get3A_42] {strides = array<i32>} : memref<80x128xi32, #tpu.memory_space<vmem>>, vector<16xi32>,
      tpu.vector_store_idx %arg5[%get3A_43], %broadcast_in_dim3A_6 {add = true} : memref<10240xf32, #tpu.memory_space<vmem>>[vector<16xi32>], vector<16xf32>,
      %get3A_44 = arith.index_cast %scan3A_31 : i32 to index
      %get3A_45 = arith.constant 64 : index
      %get3A_46 = tpu.vector_load %arg4[%get3A_44, %get3A_45] {strides = array<i32>} : memref<80x128xi32, #tpu.memory_space<vmem>>, vector<16xi32>,
      tpu.vector_store_idx %arg5[%get3A_46], %broadcast_in_dim3A_6 {add = true} : memref<10240xf32, #tpu.memory_space<vmem>>[vector<16xi32>], vector<16xf32>,
      %get3A_47 = arith.index_cast %scan3A_31 : i32 to index
      %get3A_48 = arith.constant 80 : index
      %get3A_49 = tpu.vector_load %arg4[%get3A_47, %get3A_48] {strides = array<i32>} : memref<80x128xi32, #tpu.memory_space<vmem>>, vector<16xi32>,
      tpu.vector_store_idx %arg5[%get3A_49], %broadcast_in_dim3A_6 {add = true} : memref<10240xf32, #tpu.memory_space<vmem>>[vector<16xi32>], vector<16xf32>,
      %get3A_50 = arith.index_cast %scan3A_31 : i32 to index
      %get3A_51 = arith.constant 96 : index
      %get3A_52 = tpu.vector_load %arg4[%get3A_50, %get3A_51] {strides = array<i32>} : memref<80x128xi32, #tpu.memory_space<vmem>>, vector<16xi32>,
      tpu.vector_store_idx %arg5[%get3A_52], %broadcast_in_dim3A_6 {add = true} : memref<10240xf32, #tpu.memory_space<vmem>>[vector<16xi32>], vector<16xf32>,
      %get3A_53 = arith.index_cast %scan3A_31 : i32 to index
      %get3A_54 = arith.constant 112 : index
      %get3A_55 = tpu.vector_load %arg4[%get3A_53, %get3A_54] {strides = array<i32>} : memref<80x128xi32, #tpu.memory_space<vmem>>, vector<16xi32>,
      tpu.vector_store_idx %arg5[%get3A_55], %broadcast_in_dim3A_6 {add = true} : memref<10240xf32, #tpu.memory_space<vmem>>[vector<16xi32>], vector<16xf32>,
      %scan3A_56 = arith.constant 0 : i32
      scf.yield %scan3A_56 : i32
    }
    %scan3A_20 = arith.constant 80 : i32
    "tpu.region"() ({
      %run_scoped3A = tpu.sem_alloc : memref<!tpu.dma_semaphore, #tpu.memory_space<semaphore_mem>>
      %dma_start3A = arith.constant 0 : i32
      %dma_start3A_31 = tpu.memref_slice %arg9[%arg1, %dma_start3A] : memref<16x10240xf32, #tpu.memory_space<vmem_shared>> -> memref<1x10240xf32, #tpu.memory_space<vmem_shared>>
      %dma_start3A_32 = tpu.memref_squeeze %dma_start3A_31 : memref<1x10240xf32, #tpu.memory_space<vmem_shared>> -> memref<10240xf32, #tpu.memory_space<vmem_shared>>
      %dma_start3A_33 = arith.constant 0 : i32
      %dma_start3A_34 = tpu.memref_slice %arg9[%arg1, %dma_start3A_33] : memref<16x10240xf32, #tpu.memory_space<vmem_shared>> -> memref<1x10240xf32, #tpu.memory_space<vmem_shared>>
      %dma_start3A_35 = tpu.memref_squeeze %dma_start3A_34 : memref<1x10240xf32, #tpu.memory_space<vmem_shared>> -> memref<10240xf32, #tpu.memory_space<vmem_shared>>
      tpu.enqueue_dma source(%arg5 : memref<10240xf32, #tpu.memory_space<vmem>>) target(%dma_start3A_35 : memref<10240xf32, #tpu.memory_space<vmem_shared>>) target_semaphore(%run_scoped3A : memref<!tpu.dma_semaphore, #tpu.memory_space<semaphore_mem>>)
      %dma_wait3A = arith.constant 0 : i32
      %dma_wait3A_36 = tpu.memref_slice %arg9[%arg1, %dma_wait3A] : memref<16x10240xf32, #tpu.memory_space<vmem_shared>> -> memref<1x10240xf32, #tpu.memory_space<vmem_shared>>
      %dma_wait3A_37 = tpu.memref_squeeze %dma_wait3A_36 : memref<1x10240xf32, #tpu.memory_space<vmem_shared>> -> memref<10240xf32, #tpu.memory_space<vmem_shared>>
      %dma_wait3A_38 = arith.constant 0 : i32
      %dma_wait3A_39 = tpu.memref_slice %arg9[%arg1, %dma_wait3A_38] : memref<16x10240xf32, #tpu.memory_space<vmem_shared>> -> memref<1x10240xf32, #tpu.memory_space<vmem_shared>>
      %dma_wait3A_40 = tpu.memref_squeeze %dma_wait3A_39 : memref<1x10240xf32, #tpu.memory_space<vmem_shared>> -> memref<10240xf32, #tpu.memory_space<vmem_shared>>
      tpu.wait_dma2 semaphore(%run_scoped3A : memref<!tpu.dma_semaphore, #tpu.memory_space<semaphore_mem>>) src(%arg5 : memref<10240xf32, #tpu.memory_space<vmem>>) dst(%dma_wait3A_40 : memref<10240xf32, #tpu.memory_space<vmem_shared>>)
      tpu.yield
    }) : () -> ()
    %barrier3A = arith.constant 0 : index
    tpu.barrier barrier_id(%barrier3A)
    %mul3A = arith.constant 640 : i32
    %mul3A_21 = arith.muli %arg1, %mul3A : i32
    "tpu.region"() ({
      %run_scoped3A = tpu.sem_alloc : memref<!tpu.dma_semaphore, #tpu.memory_space<semaphore_mem>>
      %dma_start3A = arith.constant 0 : i32
      %dma_start3A_31 = tpu.memref_slice %arg9[%dma_start3A, %mul3A_21] : memref<16x10240xf32, #tpu.memory_space<vmem_shared>> -> memref<16x640xf32, #tpu.memory_space<vmem_shared>>
      %dma_start3A_32 = arith.constant 0 : i32
      %dma_start3A_33 = tpu.memref_slice %arg9[%dma_start3A_32, %mul3A_21] : memref<16x10240xf32, #tpu.memory_space<vmem_shared>> -> memref<16x640xf32, #tpu.memory_space<vmem_shared>>
      tpu.enqueue_dma source(%dma_start3A_33 : memref<16x640xf32, #tpu.memory_space<vmem_shared>>) target(%arg6 : memref<16x640xf32, #tpu.memory_space<vmem>>) target_semaphore(%run_scoped3A : memref<!tpu.dma_semaphore, #tpu.memory_space<semaphore_mem>>)
      %dma_wait3A = arith.constant 0 : i32
      %dma_wait3A_34 = tpu.memref_slice %arg9[%dma_wait3A, %mul3A_21] : memref<16x10240xf32, #tpu.memory_space<vmem_shared>> -> memref<16x640xf32, #tpu.memory_space<vmem_shared>>
      %dma_wait3A_35 = arith.constant 0 : i32
      %dma_wait3A_36 = tpu.memref_slice %arg9[%dma_wait3A_35, %mul3A_21] : memref<16x10240xf32, #tpu.memory_space<vmem_shared>> -> memref<16x640xf32, #tpu.memory_space<vmem_shared>>
      tpu.wait_dma2 semaphore(%run_scoped3A : memref<!tpu.dma_semaphore, #tpu.memory_space<semaphore_mem>>) src(%dma_wait3A_36 : memref<16x640xf32, #tpu.memory_space<vmem_shared>>) dst(%arg6 : memref<16x640xf32, #tpu.memory_space<vmem>>)
      tpu.yield
    }) : () -> ()
    %scan3A_22 = arith.constant 0 : i32
    %scan3A_23 = arith.constant 0 : i32
    %scan3A_24 = arith.constant 40 : i32
    %scan3A_25 = arith.addi %scan3A_23, %scan3A_24 : i32
    %scan3A_26 = arith.constant 1 : i32
    %scan3A_27 = scf.for %scan3A_31 = %scan3A_23 to %scan3A_25 step %scan3A_26 iter_args(%scan3A_32 = %scan3A_22) -> (i32)  : i32 {
      %mul3A_33 = arith.constant 16 : i32
      %mul3A_34 = arith.muli %scan3A_31, %mul3A_33 : i32
      %get3A = arith.constant 0 : i32
      %get3A_35 = arith.index_cast %get3A : i32 to index
      %get3A_36 = arith.index_cast %mul3A_34 : i32 to index
      %get3A_37 = tpu.vector_load %arg6[%get3A_35, %get3A_36] {strides = array<i32>} : memref<16x640xf32, #tpu.memory_space<vmem>>, vector<16xf32>,
      %mul3A_38 = arith.constant 16 : i32
      %mul3A_39 = arith.muli %scan3A_31, %mul3A_38 : i32
      %get3A_40 = arith.constant 1 : i32
      %get3A_41 = arith.index_cast %get3A_40 : i32 to index
      %get3A_42 = arith.index_cast %mul3A_39 : i32 to index
      %get3A_43 = tpu.vector_load %arg6[%get3A_41, %get3A_42] {strides = array<i32>} : memref<16x640xf32, #tpu.memory_space<vmem>>, vector<16xf32>,
      %add3A = arith.addf %get3A_37, %get3A_43 : vector<16xf32>
      %mul3A_44 = arith.constant 16 : i32
      %mul3A_45 = arith.muli %scan3A_31, %mul3A_44 : i32
      %get3A_46 = arith.constant 2 : i32
      %get3A_47 = arith.index_cast %get3A_46 : i32 to index
      %get3A_48 = arith.index_cast %mul3A_45 : i32 to index
      %get3A_49 = tpu.vector_load %arg6[%get3A_47, %get3A_48] {strides = array<i32>} : memref<16x640xf32, #tpu.memory_space<vmem>>, vector<16xf32>,
      %add3A_50 = arith.addf %add3A, %get3A_49 : vector<16xf32>
      %mul3A_51 = arith.constant 16 : i32
      %mul3A_52 = arith.muli %scan3A_31, %mul3A_51 : i32
      %get3A_53 = arith.constant 3 : i32
      %get3A_54 = arith.index_cast %get3A_53 : i32 to index
      %get3A_55 = arith.index_cast %mul3A_52 : i32 to index
      %get3A_56 = tpu.vector_load %arg6[%get3A_54, %get3A_55] {strides = array<i32>} : memref<16x640xf32, #tpu.memory_space<vmem>>, vector<16xf32>,
      %add3A_57 = arith.addf %add3A_50, %get3A_56 : vector<16xf32>
      %mul3A_58 = arith.constant 16 : i32
      %mul3A_59 = arith.muli %scan3A_31, %mul3A_58 : i32
      %get3A_60 = arith.constant 4 : i32
      %get3A_61 = arith.index_cast %get3A_60 : i32 to index
      %get3A_62 = arith.index_cast %mul3A_59 : i32 to index
      %get3A_63 = tpu.vector_load %arg6[%get3A_61, %get3A_62] {strides = array<i32>} : memref<16x640xf32, #tpu.memory_space<vmem>>, vector<16xf32>,
      %add3A_64 = arith.addf %add3A_57, %get3A_63 : vector<16xf32>
      %mul3A_65 = arith.constant 16 : i32
      %mul3A_66 = arith.muli %scan3A_31, %mul3A_65 : i32
      %get3A_67 = arith.constant 5 : i32
      %get3A_68 = arith.index_cast %get3A_67 : i32 to index
      %get3A_69 = arith.index_cast %mul3A_66 : i32 to index
      %get3A_70 = tpu.vector_load %arg6[%get3A_68, %get3A_69] {strides = array<i32>} : memref<16x640xf32, #tpu.memory_space<vmem>>, vector<16xf32>,
      %add3A_71 = arith.addf %add3A_64, %get3A_70 : vector<16xf32>
      %mul3A_72 = arith.constant 16 : i32
      %mul3A_73 = arith.muli %scan3A_31, %mul3A_72 : i32
      %get3A_74 = arith.constant 6 : i32
      %get3A_75 = arith.index_cast %get3A_74 : i32 to index
      %get3A_76 = arith.index_cast %mul3A_73 : i32 to index
      %get3A_77 = tpu.vector_load %arg6[%get3A_75, %get3A_76] {strides = array<i32>} : memref<16x640xf32, #tpu.memory_space<vmem>>, vector<16xf32>,
      %add3A_78 = arith.addf %add3A_71, %get3A_77 : vector<16xf32>
      %mul3A_79 = arith.constant 16 : i32
      %mul3A_80 = arith.muli %scan3A_31, %mul3A_79 : i32
      %get3A_81 = arith.constant 7 : i32
      %get3A_82 = arith.index_cast %get3A_81 : i32 to index
      %get3A_83 = arith.index_cast %mul3A_80 : i32 to index
      %get3A_84 = tpu.vector_load %arg6[%get3A_82, %get3A_83] {strides = array<i32>} : memref<16x640xf32, #tpu.memory_space<vmem>>, vector<16xf32>,
      %add3A_85 = arith.addf %add3A_78, %get3A_84 : vector<16xf32>
      %mul3A_86 = arith.constant 16 : i32
      %mul3A_87 = arith.muli %scan3A_31, %mul3A_86 : i32
      %get3A_88 = arith.constant 8 : i32
      %get3A_89 = arith.index_cast %get3A_88 : i32 to index
      %get3A_90 = arith.index_cast %mul3A_87 : i32 to index
      %get3A_91 = tpu.vector_load %arg6[%get3A_89, %get3A_90] {strides = array<i32>} : memref<16x640xf32, #tpu.memory_space<vmem>>, vector<16xf32>,
      %add3A_92 = arith.addf %add3A_85, %get3A_91 : vector<16xf32>
      %mul3A_93 = arith.constant 16 : i32
      %mul3A_94 = arith.muli %scan3A_31, %mul3A_93 : i32
      %get3A_95 = arith.constant 9 : i32
      %get3A_96 = arith.index_cast %get3A_95 : i32 to index
      %get3A_97 = arith.index_cast %mul3A_94 : i32 to index
      %get3A_98 = tpu.vector_load %arg6[%get3A_96, %get3A_97] {strides = array<i32>} : memref<16x640xf32, #tpu.memory_space<vmem>>, vector<16xf32>,
      %add3A_99 = arith.addf %add3A_92, %get3A_98 : vector<16xf32>
      %mul3A_100 = arith.constant 16 : i32
      %mul3A_101 = arith.muli %scan3A_31, %mul3A_100 : i32
      %get3A_102 = arith.constant 10 : i32
      %get3A_103 = arith.index_cast %get3A_102 : i32 to index
      %get3A_104 = arith.index_cast %mul3A_101 : i32 to index
      %get3A_105 = tpu.vector_load %arg6[%get3A_103, %get3A_104] {strides = array<i32>} : memref<16x640xf32, #tpu.memory_space<vmem>>, vector<16xf32>,
      %add3A_106 = arith.addf %add3A_99, %get3A_105 : vector<16xf32>
      %mul3A_107 = arith.constant 16 : i32
      %mul3A_108 = arith.muli %scan3A_31, %mul3A_107 : i32
      %get3A_109 = arith.constant 11 : i32
      %get3A_110 = arith.index_cast %get3A_109 : i32 to index
      %get3A_111 = arith.index_cast %mul3A_108 : i32 to index
      %get3A_112 = tpu.vector_load %arg6[%get3A_110, %get3A_111] {strides = array<i32>} : memref<16x640xf32, #tpu.memory_space<vmem>>, vector<16xf32>,
      %add3A_113 = arith.addf %add3A_106, %get3A_112 : vector<16xf32>
      %mul3A_114 = arith.constant 16 : i32
      %mul3A_115 = arith.muli %scan3A_31, %mul3A_114 : i32
      %get3A_116 = arith.constant 12 : i32
      %get3A_117 = arith.index_cast %get3A_116 : i32 to index
      %get3A_118 = arith.index_cast %mul3A_115 : i32 to index
      %get3A_119 = tpu.vector_load %arg6[%get3A_117, %get3A_118] {strides = array<i32>} : memref<16x640xf32, #tpu.memory_space<vmem>>, vector<16xf32>,
      %add3A_120 = arith.addf %add3A_113, %get3A_119 : vector<16xf32>
      %mul3A_121 = arith.constant 16 : i32
      %mul3A_122 = arith.muli %scan3A_31, %mul3A_121 : i32
      %get3A_123 = arith.constant 13 : i32
      %get3A_124 = arith.index_cast %get3A_123 : i32 to index
      %get3A_125 = arith.index_cast %mul3A_122 : i32 to index
      %get3A_126 = tpu.vector_load %arg6[%get3A_124, %get3A_125] {strides = array<i32>} : memref<16x640xf32, #tpu.memory_space<vmem>>, vector<16xf32>,
      %add3A_127 = arith.addf %add3A_120, %get3A_126 : vector<16xf32>
      %mul3A_128 = arith.constant 16 : i32
      %mul3A_129 = arith.muli %scan3A_31, %mul3A_128 : i32
      %get3A_130 = arith.constant 14 : i32
      %get3A_131 = arith.index_cast %get3A_130 : i32 to index
      %get3A_132 = arith.index_cast %mul3A_129 : i32 to index
      %get3A_133 = tpu.vector_load %arg6[%get3A_131, %get3A_132] {strides = array<i32>} : memref<16x640xf32, #tpu.memory_space<vmem>>, vector<16xf32>,
      %add3A_134 = arith.addf %add3A_127, %get3A_133 : vector<16xf32>
      %mul3A_135 = arith.constant 16 : i32
      %mul3A_136 = arith.muli %scan3A_31, %mul3A_135 : i32
      %get3A_137 = arith.constant 15 : i32
      %get3A_138 = arith.index_cast %get3A_137 : i32 to index
      %get3A_139 = arith.index_cast %mul3A_136 : i32 to index
      %get3A_140 = tpu.vector_load %arg6[%get3A_138, %get3A_139] {strides = array<i32>} : memref<16x640xf32, #tpu.memory_space<vmem>>, vector<16xf32>,
      %add3A_141 = arith.addf %add3A_134, %get3A_140 : vector<16xf32>
      %mul3A_142 = arith.constant 16 : i32
      %mul3A_143 = arith.muli %scan3A_31, %mul3A_142 : i32
      %swap3A = arith.index_cast %mul3A_143 : i32 to index
      %swap3A_144 = tpu.vector_load %arg7[%swap3A] {strides = array<i32>} : memref<640xf32, #tpu.memory_space<vmem>>, vector<16xf32>,
      tpu.vector_store %arg7[%swap3A], %add3A_141 {strides = array<i32>} : memref<640xf32, #tpu.memory_space<vmem>>, vector<16xf32>,
      %scan3A_145 = arith.constant 0 : i32
      scf.yield %scan3A_145 : i32
    }
    %scan3A_28 = arith.constant 40 : i32
    %eq3A = arith.constant 0 : i32
    %eq3A_29 = arith.cmpi eq, %arg0, %eq3A : i32
    %convert_element_type3A = arith.extui %eq3A_29 : i1 to i32
    %cond3A = arith.constant 0 : i32
    %cond3A_30 = arith.cmpi ne, %convert_element_type3A, %cond3A : i32
    scf.if %cond3A_30 {
      %scan3A_31 = arith.constant 0 : i32
      %scan3A_32 = arith.constant 0 : i32
      %scan3A_33 = arith.constant 128 : i32
      %scan3A_34 = arith.addi %scan3A_32, %scan3A_33 : i32
      %scan3A_35 = arith.constant 1 : i32
      %scan3A_36 = scf.for %scan3A_85 = %scan3A_32 to %scan3A_34 step %scan3A_35 iter_args(%scan3A_86 = %scan3A_31) -> (i32)  : i32 {
        %add3A_87 = arith.constant 0 : i32
        %add3A_88 = arith.addi %add3A_87, %scan3A_85 : i32
        %broadcast_in_dim3A_89 = vector.broadcast %add3A_88 : i32 to vector<16xi32>
        %gather3A = tpu.vector_load_idx %arg7[%broadcast_in_dim3A_89] : memref<640xf32, #tpu.memory_space<vmem>>[vector<16xi32>], vector<16xf32>,
        %swap3A = arith.index_cast %scan3A_85 : i32 to index
        %swap3A_90 = arith.constant 0 : index
        %swap3A_91 = tpu.vector_load %arg8[%swap3A, %swap3A_90] {strides = array<i32>} : memref<128x128xf32, #tpu.memory_space<vmem>>, vector<16xf32>,
        tpu.vector_store %arg8[%swap3A, %swap3A_90], %gather3A {strides = array<i32>} : memref<128x128xf32, #tpu.memory_space<vmem>>, vector<16xf32>,
        %swap3A_92 = arith.index_cast %scan3A_85 : i32 to index
        %swap3A_93 = arith.constant 16 : index
        %swap3A_94 = tpu.vector_load %arg8[%swap3A_92, %swap3A_93] {strides = array<i32>} : memref<128x128xf32, #tpu.memory_space<vmem>>, vector<16xf32>,
        tpu.vector_store %arg8[%swap3A_92, %swap3A_93], %gather3A {strides = array<i32>} : memref<128x128xf32, #tpu.memory_space<vmem>>, vector<16xf32>,
        %swap3A_95 = arith.index_cast %scan3A_85 : i32 to index
        %swap3A_96 = arith.constant 32 : index
        %swap3A_97 = tpu.vector_load %arg8[%swap3A_95, %swap3A_96] {strides = array<i32>} : memref<128x128xf32, #tpu.memory_space<vmem>>, vector<16xf32>,
        tpu.vector_store %arg8[%swap3A_95, %swap3A_96], %gather3A {strides = array<i32>} : memref<128x128xf32, #tpu.memory_space<vmem>>, vector<16xf32>,
        %swap3A_98 = arith.index_cast %scan3A_85 : i32 to index
        %swap3A_99 = arith.constant 48 : index
        %swap3A_100 = tpu.vector_load %arg8[%swap3A_98, %swap3A_99] {strides = array<i32>} : memref<128x128xf32, #tpu.memory_space<vmem>>, vector<16xf32>,
        tpu.vector_store %arg8[%swap3A_98, %swap3A_99], %gather3A {strides = array<i32>} : memref<128x128xf32, #tpu.memory_space<vmem>>, vector<16xf32>,
        %swap3A_101 = arith.index_cast %scan3A_85 : i32 to index
        %swap3A_102 = arith.constant 64 : index
        %swap3A_103 = tpu.vector_load %arg8[%swap3A_101, %swap3A_102] {strides = array<i32>} : memref<128x128xf32, #tpu.memory_space<vmem>>, vector<16xf32>,
        tpu.vector_store %arg8[%swap3A_101, %swap3A_102], %gather3A {strides = array<i32>} : memref<128x128xf32, #tpu.memory_space<vmem>>, vector<16xf32>,
        %swap3A_104 = arith.index_cast %scan3A_85 : i32 to index
        %swap3A_105 = arith.constant 80 : index
        %swap3A_106 = tpu.vector_load %arg8[%swap3A_104, %swap3A_105] {strides = array<i32>} : memref<128x128xf32, #tpu.memory_space<vmem>>, vector<16xf32>,
        tpu.vector_store %arg8[%swap3A_104, %swap3A_105], %gather3A {strides = array<i32>} : memref<128x128xf32, #tpu.memory_space<vmem>>, vector<16xf32>,
        %swap3A_107 = arith.index_cast %scan3A_85 : i32 to index
        %swap3A_108 = arith.constant 96 : index
        %swap3A_109 = tpu.vector_load %arg8[%swap3A_107, %swap3A_108] {strides = array<i32>} : memref<128x128xf32, #tpu.memory_space<vmem>>, vector<16xf32>,
        tpu.vector_store %arg8[%swap3A_107, %swap3A_108], %gather3A {strides = array<i32>} : memref<128x128xf32, #tpu.memory_space<vmem>>, vector<16xf32>,
        %swap3A_110 = arith.index_cast %scan3A_85 : i32 to index
        %swap3A_111 = arith.constant 112 : index
        %swap3A_112 = tpu.vector_load %arg8[%swap3A_110, %swap3A_111] {strides = array<i32>} : memref<128x128xf32, #tpu.memory_space<vmem>>, vector<16xf32>,
        tpu.vector_store %arg8[%swap3A_110, %swap3A_111], %gather3A {strides = array<i32>} : memref<128x128xf32, #tpu.memory_space<vmem>>, vector<16xf32>,
        %scan3A_113 = arith.constant 0 : i32
        scf.yield %scan3A_113 : i32
      }
      %scan3A_37 = arith.constant 128 : i32
      %mul3A_38 = arith.constant 640 : i32
      %mul3A_39 = arith.muli %arg1, %mul3A_38 : i32
      %add3A = arith.constant 0 : i32
      %add3A_40 = arith.addi %mul3A_39, %add3A : i32
      "tpu.region"() ({
        %run_scoped3A = tpu.sem_alloc : memref<!tpu.dma_semaphore, #tpu.memory_space<semaphore_mem>>
        %dma_start3A = arith.constant 0 : i32
        %dma_start3A_85 = tpu.memref_slice %arg3[%add3A_40, %dma_start3A] : memref<10240x128xf32, #tpu.memory_space<hbm>> -> memref<128x128xf32, #tpu.memory_space<hbm>>
        %dma_start3A_86 = arith.constant 0 : i32
        %dma_start3A_87 = tpu.memref_slice %arg3[%add3A_40, %dma_start3A_86] : memref<10240x128xf32, #tpu.memory_space<hbm>> -> memref<128x128xf32, #tpu.memory_space<hbm>>
        tpu.enqueue_dma source(%arg8 : memref<128x128xf32, #tpu.memory_space<vmem>>) target(%dma_start3A_87 : memref<128x128xf32, #tpu.memory_space<hbm>>) target_semaphore(%run_scoped3A : memref<!tpu.dma_semaphore, #tpu.memory_space<semaphore_mem>>)
        %dma_wait3A = arith.constant 0 : i32
        %dma_wait3A_88 = tpu.memref_slice %arg3[%add3A_40, %dma_wait3A] : memref<10240x128xf32, #tpu.memory_space<hbm>> -> memref<128x128xf32, #tpu.memory_space<hbm>>
        %dma_wait3A_89 = arith.constant 0 : i32
        %dma_wait3A_90 = tpu.memref_slice %arg3[%add3A_40, %dma_wait3A_89] : memref<10240x128xf32, #tpu.memory_space<hbm>> -> memref<128x128xf32, #tpu.memory_space<hbm>>
        tpu.wait_dma2 semaphore(%run_scoped3A : memref<!tpu.dma_semaphore, #tpu.memory_space<semaphore_mem>>) src(%arg8 : memref<128x128xf32, #tpu.memory_space<vmem>>) dst(%dma_wait3A_90 : memref<128x128xf32, #tpu.memory_space<hbm>>)
        tpu.yield
      }) : () -> ()
      %scan3A_41 = arith.constant 0 : i32
      %scan3A_42 = arith.constant 0 : i32
      %scan3A_43 = arith.constant 128 : i32
      %scan3A_44 = arith.addi %scan3A_42, %scan3A_43 : i32
      %scan3A_45 = arith.constant 1 : i32
      %scan3A_46 = scf.for %scan3A_85 = %scan3A_42 to %scan3A_44 step %scan3A_45 iter_args(%scan3A_86 = %scan3A_41) -> (i32)  : i32 {
        %add3A_87 = arith.constant 128 : i32
        %add3A_88 = arith.addi %add3A_87, %scan3A_85 : i32
        %broadcast_in_dim3A_89 = vector.broadcast %add3A_88 : i32 to vector<16xi32>
        %gather3A = tpu.vector_load_idx %arg7[%broadcast_in_dim3A_89] : memref<640xf32, #tpu.memory_space<vmem>>[vector<16xi32>], vector<16xf32>,
        %swap3A = arith.index_cast %scan3A_85 : i32 to index
        %swap3A_90 = arith.constant 0 : index
        %swap3A_91 = tpu.vector_load %arg8[%swap3A, %swap3A_90] {strides = array<i32>} : memref<128x128xf32, #tpu.memory_space<vmem>>, vector<16xf32>,
        tpu.vector_store %arg8[%swap3A, %swap3A_90], %gather3A {strides = array<i32>} : memref<128x128xf32, #tpu.memory_space<vmem>>, vector<16xf32>,
        %swap3A_92 = arith.index_cast %scan3A_85 : i32 to index
        %swap3A_93 = arith.constant 16 : index
        %swap3A_94 = tpu.vector_load %arg8[%swap3A_92, %swap3A_93] {strides = array<i32>} : memref<128x128xf32, #tpu.memory_space<vmem>>, vector<16xf32>,
        tpu.vector_store %arg8[%swap3A_92, %swap3A_93], %gather3A {strides = array<i32>} : memref<128x128xf32, #tpu.memory_space<vmem>>, vector<16xf32>,
        %swap3A_95 = arith.index_cast %scan3A_85 : i32 to index
        %swap3A_96 = arith.constant 32 : index
        %swap3A_97 = tpu.vector_load %arg8[%swap3A_95, %swap3A_96] {strides = array<i32>} : memref<128x128xf32, #tpu.memory_space<vmem>>, vector<16xf32>,
        tpu.vector_store %arg8[%swap3A_95, %swap3A_96], %gather3A {strides = array<i32>} : memref<128x128xf32, #tpu.memory_space<vmem>>, vector<16xf32>,
        %swap3A_98 = arith.index_cast %scan3A_85 : i32 to index
        %swap3A_99 = arith.constant 48 : index
        %swap3A_100 = tpu.vector_load %arg8[%swap3A_98, %swap3A_99] {strides = array<i32>} : memref<128x128xf32, #tpu.memory_space<vmem>>, vector<16xf32>,
        tpu.vector_store %arg8[%swap3A_98, %swap3A_99], %gather3A {strides = array<i32>} : memref<128x128xf32, #tpu.memory_space<vmem>>, vector<16xf32>,
        %swap3A_101 = arith.index_cast %scan3A_85 : i32 to index
        %swap3A_102 = arith.constant 64 : index
        %swap3A_103 = tpu.vector_load %arg8[%swap3A_101, %swap3A_102] {strides = array<i32>} : memref<128x128xf32, #tpu.memory_space<vmem>>, vector<16xf32>,
        tpu.vector_store %arg8[%swap3A_101, %swap3A_102], %gather3A {strides = array<i32>} : memref<128x128xf32, #tpu.memory_space<vmem>>, vector<16xf32>,
        %swap3A_104 = arith.index_cast %scan3A_85 : i32 to index
        %swap3A_105 = arith.constant 80 : index
        %swap3A_106 = tpu.vector_load %arg8[%swap3A_104, %swap3A_105] {strides = array<i32>} : memref<128x128xf32, #tpu.memory_space<vmem>>, vector<16xf32>,
        tpu.vector_store %arg8[%swap3A_104, %swap3A_105], %gather3A {strides = array<i32>} : memref<128x128xf32, #tpu.memory_space<vmem>>, vector<16xf32>,
        %swap3A_107 = arith.index_cast %scan3A_85 : i32 to index
        %swap3A_108 = arith.constant 96 : index
        %swap3A_109 = tpu.vector_load %arg8[%swap3A_107, %swap3A_108] {strides = array<i32>} : memref<128x128xf32, #tpu.memory_space<vmem>>, vector<16xf32>,
        tpu.vector_store %arg8[%swap3A_107, %swap3A_108], %gather3A {strides = array<i32>} : memref<128x128xf32, #tpu.memory_space<vmem>>, vector<16xf32>,
        %swap3A_110 = arith.index_cast %scan3A_85 : i32 to index
        %swap3A_111 = arith.constant 112 : index
        %swap3A_112 = tpu.vector_load %arg8[%swap3A_110, %swap3A_111] {strides = array<i32>} : memref<128x128xf32, #tpu.memory_space<vmem>>, vector<16xf32>,
        tpu.vector_store %arg8[%swap3A_110, %swap3A_111], %gather3A {strides = array<i32>} : memref<128x128xf32, #tpu.memory_space<vmem>>, vector<16xf32>,
        %scan3A_113 = arith.constant 0 : i32
        scf.yield %scan3A_113 : i32
      }
      %scan3A_47 = arith.constant 128 : i32
      %mul3A_48 = arith.constant 640 : i32
      %mul3A_49 = arith.muli %arg1, %mul3A_48 : i32
      %add3A_50 = arith.constant 128 : i32
      %add3A_51 = arith.addi %mul3A_49, %add3A_50 : i32
      "tpu.region"() ({
        %run_scoped3A = tpu.sem_alloc : memref<!tpu.dma_semaphore, #tpu.memory_space<semaphore_mem>>
        %dma_start3A = arith.constant 0 : i32
        %dma_start3A_85 = tpu.memref_slice %arg3[%add3A_51, %dma_start3A] : memref<10240x128xf32, #tpu.memory_space<hbm>> -> memref<128x128xf32, #tpu.memory_space<hbm>>
        %dma_start3A_86 = arith.constant 0 : i32
        %dma_start3A_87 = tpu.memref_slice %arg3[%add3A_51, %dma_start3A_86] : memref<10240x128xf32, #tpu.memory_space<hbm>> -> memref<128x128xf32, #tpu.memory_space<hbm>>
        tpu.enqueue_dma source(%arg8 : memref<128x128xf32, #tpu.memory_space<vmem>>) target(%dma_start3A_87 : memref<128x128xf32, #tpu.memory_space<hbm>>) target_semaphore(%run_scoped3A : memref<!tpu.dma_semaphore, #tpu.memory_space<semaphore_mem>>)
        %dma_wait3A = arith.constant 0 : i32
        %dma_wait3A_88 = tpu.memref_slice %arg3[%add3A_51, %dma_wait3A] : memref<10240x128xf32, #tpu.memory_space<hbm>> -> memref<128x128xf32, #tpu.memory_space<hbm>>
        %dma_wait3A_89 = arith.constant 0 : i32
        %dma_wait3A_90 = tpu.memref_slice %arg3[%add3A_51, %dma_wait3A_89] : memref<10240x128xf32, #tpu.memory_space<hbm>> -> memref<128x128xf32, #tpu.memory_space<hbm>>
        tpu.wait_dma2 semaphore(%run_scoped3A : memref<!tpu.dma_semaphore, #tpu.memory_space<semaphore_mem>>) src(%arg8 : memref<128x128xf32, #tpu.memory_space<vmem>>) dst(%dma_wait3A_90 : memref<128x128xf32, #tpu.memory_space<hbm>>)
        tpu.yield
      }) : () -> ()
      %scan3A_52 = arith.constant 0 : i32
      %scan3A_53 = arith.constant 0 : i32
      %scan3A_54 = arith.constant 128 : i32
      %scan3A_55 = arith.addi %scan3A_53, %scan3A_54 : i32
      %scan3A_56 = arith.constant 1 : i32
      %scan3A_57 = scf.for %scan3A_85 = %scan3A_53 to %scan3A_55 step %scan3A_56 iter_args(%scan3A_86 = %scan3A_52) -> (i32)  : i32 {
        %add3A_87 = arith.constant 256 : i32
        %add3A_88 = arith.addi %add3A_87, %scan3A_85 : i32
        %broadcast_in_dim3A_89 = vector.broadcast %add3A_88 : i32 to vector<16xi32>
        %gather3A = tpu.vector_load_idx %arg7[%broadcast_in_dim3A_89] : memref<640xf32, #tpu.memory_space<vmem>>[vector<16xi32>], vector<16xf32>,
        %swap3A = arith.index_cast %scan3A_85 : i32 to index
        %swap3A_90 = arith.constant 0 : index
        %swap3A_91 = tpu.vector_load %arg8[%swap3A, %swap3A_90] {strides = array<i32>} : memref<128x128xf32, #tpu.memory_space<vmem>>, vector<16xf32>,
        tpu.vector_store %arg8[%swap3A, %swap3A_90], %gather3A {strides = array<i32>} : memref<128x128xf32, #tpu.memory_space<vmem>>, vector<16xf32>,
        %swap3A_92 = arith.index_cast %scan3A_85 : i32 to index
        %swap3A_93 = arith.constant 16 : index
        %swap3A_94 = tpu.vector_load %arg8[%swap3A_92, %swap3A_93] {strides = array<i32>} : memref<128x128xf32, #tpu.memory_space<vmem>>, vector<16xf32>,
        tpu.vector_store %arg8[%swap3A_92, %swap3A_93], %gather3A {strides = array<i32>} : memref<128x128xf32, #tpu.memory_space<vmem>>, vector<16xf32>,
        %swap3A_95 = arith.index_cast %scan3A_85 : i32 to index
        %swap3A_96 = arith.constant 32 : index
        %swap3A_97 = tpu.vector_load %arg8[%swap3A_95, %swap3A_96] {strides = array<i32>} : memref<128x128xf32, #tpu.memory_space<vmem>>, vector<16xf32>,
        tpu.vector_store %arg8[%swap3A_95, %swap3A_96], %gather3A {strides = array<i32>} : memref<128x128xf32, #tpu.memory_space<vmem>>, vector<16xf32>,
        %swap3A_98 = arith.index_cast %scan3A_85 : i32 to index
        %swap3A_99 = arith.constant 48 : index
        %swap3A_100 = tpu.vector_load %arg8[%swap3A_98, %swap3A_99] {strides = array<i32>} : memref<128x128xf32, #tpu.memory_space<vmem>>, vector<16xf32>,
        tpu.vector_store %arg8[%swap3A_98, %swap3A_99], %gather3A {strides = array<i32>} : memref<128x128xf32, #tpu.memory_space<vmem>>, vector<16xf32>,
        %swap3A_101 = arith.index_cast %scan3A_85 : i32 to index
        %swap3A_102 = arith.constant 64 : index
        %swap3A_103 = tpu.vector_load %arg8[%swap3A_101, %swap3A_102] {strides = array<i32>} : memref<128x128xf32, #tpu.memory_space<vmem>>, vector<16xf32>,
        tpu.vector_store %arg8[%swap3A_101, %swap3A_102], %gather3A {strides = array<i32>} : memref<128x128xf32, #tpu.memory_space<vmem>>, vector<16xf32>,
        %swap3A_104 = arith.index_cast %scan3A_85 : i32 to index
        %swap3A_105 = arith.constant 80 : index
        %swap3A_106 = tpu.vector_load %arg8[%swap3A_104, %swap3A_105] {strides = array<i32>} : memref<128x128xf32, #tpu.memory_space<vmem>>, vector<16xf32>,
        tpu.vector_store %arg8[%swap3A_104, %swap3A_105], %gather3A {strides = array<i32>} : memref<128x128xf32, #tpu.memory_space<vmem>>, vector<16xf32>,
        %swap3A_107 = arith.index_cast %scan3A_85 : i32 to index
        %swap3A_108 = arith.constant 96 : index
        %swap3A_109 = tpu.vector_load %arg8[%swap3A_107, %swap3A_108] {strides = array<i32>} : memref<128x128xf32, #tpu.memory_space<vmem>>, vector<16xf32>,
        tpu.vector_store %arg8[%swap3A_107, %swap3A_108], %gather3A {strides = array<i32>} : memref<128x128xf32, #tpu.memory_space<vmem>>, vector<16xf32>,
        %swap3A_110 = arith.index_cast %scan3A_85 : i32 to index
        %swap3A_111 = arith.constant 112 : index
        %swap3A_112 = tpu.vector_load %arg8[%swap3A_110, %swap3A_111] {strides = array<i32>} : memref<128x128xf32, #tpu.memory_space<vmem>>, vector<16xf32>,
        tpu.vector_store %arg8[%swap3A_110, %swap3A_111], %gather3A {strides = array<i32>} : memref<128x128xf32, #tpu.memory_space<vmem>>, vector<16xf32>,
        %scan3A_113 = arith.constant 0 : i32
        scf.yield %scan3A_113 : i32
      }
      %scan3A_58 = arith.constant 128 : i32
      %mul3A_59 = arith.constant 640 : i32
      %mul3A_60 = arith.muli %arg1, %mul3A_59 : i32
      %add3A_61 = arith.constant 256 : i32
      %add3A_62 = arith.addi %mul3A_60, %add3A_61 : i32
      "tpu.region"() ({
        %run_scoped3A = tpu.sem_alloc : memref<!tpu.dma_semaphore, #tpu.memory_space<semaphore_mem>>
        %dma_start3A = arith.constant 0 : i32
        %dma_start3A_85 = tpu.memref_slice %arg3[%add3A_62, %dma_start3A] : memref<10240x128xf32, #tpu.memory_space<hbm>> -> memref<128x128xf32, #tpu.memory_space<hbm>>
        %dma_start3A_86 = arith.constant 0 : i32
        %dma_start3A_87 = tpu.memref_slice %arg3[%add3A_62, %dma_start3A_86] : memref<10240x128xf32, #tpu.memory_space<hbm>> -> memref<128x128xf32, #tpu.memory_space<hbm>>
        tpu.enqueue_dma source(%arg8 : memref<128x128xf32, #tpu.memory_space<vmem>>) target(%dma_start3A_87 : memref<128x128xf32, #tpu.memory_space<hbm>>) target_semaphore(%run_scoped3A : memref<!tpu.dma_semaphore, #tpu.memory_space<semaphore_mem>>)
        %dma_wait3A = arith.constant 0 : i32
        %dma_wait3A_88 = tpu.memref_slice %arg3[%add3A_62, %dma_wait3A] : memref<10240x128xf32, #tpu.memory_space<hbm>> -> memref<128x128xf32, #tpu.memory_space<hbm>>
        %dma_wait3A_89 = arith.constant 0 : i32
        %dma_wait3A_90 = tpu.memref_slice %arg3[%add3A_62, %dma_wait3A_89] : memref<10240x128xf32, #tpu.memory_space<hbm>> -> memref<128x128xf32, #tpu.memory_space<hbm>>
        tpu.wait_dma2 semaphore(%run_scoped3A : memref<!tpu.dma_semaphore, #tpu.memory_space<semaphore_mem>>) src(%arg8 : memref<128x128xf32, #tpu.memory_space<vmem>>) dst(%dma_wait3A_90 : memref<128x128xf32, #tpu.memory_space<hbm>>)
        tpu.yield
      }) : () -> ()
      %scan3A_63 = arith.constant 0 : i32
      %scan3A_64 = arith.constant 0 : i32
      %scan3A_65 = arith.constant 128 : i32
      %scan3A_66 = arith.addi %scan3A_64, %scan3A_65 : i32
      %scan3A_67 = arith.constant 1 : i32
      %scan3A_68 = scf.for %scan3A_85 = %scan3A_64 to %scan3A_66 step %scan3A_67 iter_args(%scan3A_86 = %scan3A_63) -> (i32)  : i32 {
        %add3A_87 = arith.constant 384 : i32
        %add3A_88 = arith.addi %add3A_87, %scan3A_85 : i32
        %broadcast_in_dim3A_89 = vector.broadcast %add3A_88 : i32 to vector<16xi32>
        %gather3A = tpu.vector_load_idx %arg7[%broadcast_in_dim3A_89] : memref<640xf32, #tpu.memory_space<vmem>>[vector<16xi32>], vector<16xf32>,
        %swap3A = arith.index_cast %scan3A_85 : i32 to index
        %swap3A_90 = arith.constant 0 : index
        %swap3A_91 = tpu.vector_load %arg8[%swap3A, %swap3A_90] {strides = array<i32>} : memref<128x128xf32, #tpu.memory_space<vmem>>, vector<16xf32>,
        tpu.vector_store %arg8[%swap3A, %swap3A_90], %gather3A {strides = array<i32>} : memref<128x128xf32, #tpu.memory_space<vmem>>, vector<16xf32>,
        %swap3A_92 = arith.index_cast %scan3A_85 : i32 to index
        %swap3A_93 = arith.constant 16 : index
        %swap3A_94 = tpu.vector_load %arg8[%swap3A_92, %swap3A_93] {strides = array<i32>} : memref<128x128xf32, #tpu.memory_space<vmem>>, vector<16xf32>,
        tpu.vector_store %arg8[%swap3A_92, %swap3A_93], %gather3A {strides = array<i32>} : memref<128x128xf32, #tpu.memory_space<vmem>>, vector<16xf32>,
        %swap3A_95 = arith.index_cast %scan3A_85 : i32 to index
        %swap3A_96 = arith.constant 32 : index
        %swap3A_97 = tpu.vector_load %arg8[%swap3A_95, %swap3A_96] {strides = array<i32>} : memref<128x128xf32, #tpu.memory_space<vmem>>, vector<16xf32>,
        tpu.vector_store %arg8[%swap3A_95, %swap3A_96], %gather3A {strides = array<i32>} : memref<128x128xf32, #tpu.memory_space<vmem>>, vector<16xf32>,
        %swap3A_98 = arith.index_cast %scan3A_85 : i32 to index
        %swap3A_99 = arith.constant 48 : index
        %swap3A_100 = tpu.vector_load %arg8[%swap3A_98, %swap3A_99] {strides = array<i32>} : memref<128x128xf32, #tpu.memory_space<vmem>>, vector<16xf32>,
        tpu.vector_store %arg8[%swap3A_98, %swap3A_99], %gather3A {strides = array<i32>} : memref<128x128xf32, #tpu.memory_space<vmem>>, vector<16xf32>,
        %swap3A_101 = arith.index_cast %scan3A_85 : i32 to index
        %swap3A_102 = arith.constant 64 : index
        %swap3A_103 = tpu.vector_load %arg8[%swap3A_101, %swap3A_102] {strides = array<i32>} : memref<128x128xf32, #tpu.memory_space<vmem>>, vector<16xf32>,
        tpu.vector_store %arg8[%swap3A_101, %swap3A_102], %gather3A {strides = array<i32>} : memref<128x128xf32, #tpu.memory_space<vmem>>, vector<16xf32>,
        %swap3A_104 = arith.index_cast %scan3A_85 : i32 to index
        %swap3A_105 = arith.constant 80 : index
        %swap3A_106 = tpu.vector_load %arg8[%swap3A_104, %swap3A_105] {strides = array<i32>} : memref<128x128xf32, #tpu.memory_space<vmem>>, vector<16xf32>,
        tpu.vector_store %arg8[%swap3A_104, %swap3A_105], %gather3A {strides = array<i32>} : memref<128x128xf32, #tpu.memory_space<vmem>>, vector<16xf32>,
        %swap3A_107 = arith.index_cast %scan3A_85 : i32 to index
        %swap3A_108 = arith.constant 96 : index
        %swap3A_109 = tpu.vector_load %arg8[%swap3A_107, %swap3A_108] {strides = array<i32>} : memref<128x128xf32, #tpu.memory_space<vmem>>, vector<16xf32>,
        tpu.vector_store %arg8[%swap3A_107, %swap3A_108], %gather3A {strides = array<i32>} : memref<128x128xf32, #tpu.memory_space<vmem>>, vector<16xf32>,
        %swap3A_110 = arith.index_cast %scan3A_85 : i32 to index
        %swap3A_111 = arith.constant 112 : index
        %swap3A_112 = tpu.vector_load %arg8[%swap3A_110, %swap3A_111] {strides = array<i32>} : memref<128x128xf32, #tpu.memory_space<vmem>>, vector<16xf32>,
        tpu.vector_store %arg8[%swap3A_110, %swap3A_111], %gather3A {strides = array<i32>} : memref<128x128xf32, #tpu.memory_space<vmem>>, vector<16xf32>,
        %scan3A_113 = arith.constant 0 : i32
        scf.yield %scan3A_113 : i32
      }
      %scan3A_69 = arith.constant 128 : i32
      %mul3A_70 = arith.constant 640 : i32
      %mul3A_71 = arith.muli %arg1, %mul3A_70 : i32
      %add3A_72 = arith.constant 384 : i32
      %add3A_73 = arith.addi %mul3A_71, %add3A_72 : i32
      "tpu.region"() ({
        %run_scoped3A = tpu.sem_alloc : memref<!tpu.dma_semaphore, #tpu.memory_space<semaphore_mem>>
        %dma_start3A = arith.constant 0 : i32
        %dma_start3A_85 = tpu.memref_slice %arg3[%add3A_73, %dma_start3A] : memref<10240x128xf32, #tpu.memory_space<hbm>> -> memref<128x128xf32, #tpu.memory_space<hbm>>
        %dma_start3A_86 = arith.constant 0 : i32
        %dma_start3A_87 = tpu.memref_slice %arg3[%add3A_73, %dma_start3A_86] : memref<10240x128xf32, #tpu.memory_space<hbm>> -> memref<128x128xf32, #tpu.memory_space<hbm>>
        tpu.enqueue_dma source(%arg8 : memref<128x128xf32, #tpu.memory_space<vmem>>) target(%dma_start3A_87 : memref<128x128xf32, #tpu.memory_space<hbm>>) target_semaphore(%run_scoped3A : memref<!tpu.dma_semaphore, #tpu.memory_space<semaphore_mem>>)
        %dma_wait3A = arith.constant 0 : i32
        %dma_wait3A_88 = tpu.memref_slice %arg3[%add3A_73, %dma_wait3A] : memref<10240x128xf32, #tpu.memory_space<hbm>> -> memref<128x128xf32, #tpu.memory_space<hbm>>
        %dma_wait3A_89 = arith.constant 0 : i32
        %dma_wait3A_90 = tpu.memref_slice %arg3[%add3A_73, %dma_wait3A_89] : memref<10240x128xf32, #tpu.memory_space<hbm>> -> memref<128x128xf32, #tpu.memory_space<hbm>>
        tpu.wait_dma2 semaphore(%run_scoped3A : memref<!tpu.dma_semaphore, #tpu.memory_space<semaphore_mem>>) src(%arg8 : memref<128x128xf32, #tpu.memory_space<vmem>>) dst(%dma_wait3A_90 : memref<128x128xf32, #tpu.memory_space<hbm>>)
        tpu.yield
      }) : () -> ()
      %scan3A_74 = arith.constant 0 : i32
      %scan3A_75 = arith.constant 0 : i32
      %scan3A_76 = arith.constant 128 : i32
      %scan3A_77 = arith.addi %scan3A_75, %scan3A_76 : i32
      %scan3A_78 = arith.constant 1 : i32
      %scan3A_79 = scf.for %scan3A_85 = %scan3A_75 to %scan3A_77 step %scan3A_78 iter_args(%scan3A_86 = %scan3A_74) -> (i32)  : i32 {
        %add3A_87 = arith.constant 512 : i32
        %add3A_88 = arith.addi %add3A_87, %scan3A_85 : i32
        %broadcast_in_dim3A_89 = vector.broadcast %add3A_88 : i32 to vector<16xi32>
        %gather3A = tpu.vector_load_idx %arg7[%broadcast_in_dim3A_89] : memref<640xf32, #tpu.memory_space<vmem>>[vector<16xi32>], vector<16xf32>,
        %swap3A = arith.index_cast %scan3A_85 : i32 to index
        %swap3A_90 = arith.constant 0 : index
        %swap3A_91 = tpu.vector_load %arg8[%swap3A, %swap3A_90] {strides = array<i32>} : memref<128x128xf32, #tpu.memory_space<vmem>>, vector<16xf32>,
        tpu.vector_store %arg8[%swap3A, %swap3A_90], %gather3A {strides = array<i32>} : memref<128x128xf32, #tpu.memory_space<vmem>>, vector<16xf32>,
        %swap3A_92 = arith.index_cast %scan3A_85 : i32 to index
        %swap3A_93 = arith.constant 16 : index
        %swap3A_94 = tpu.vector_load %arg8[%swap3A_92, %swap3A_93] {strides = array<i32>} : memref<128x128xf32, #tpu.memory_space<vmem>>, vector<16xf32>,
        tpu.vector_store %arg8[%swap3A_92, %swap3A_93], %gather3A {strides = array<i32>} : memref<128x128xf32, #tpu.memory_space<vmem>>, vector<16xf32>,
        %swap3A_95 = arith.index_cast %scan3A_85 : i32 to index
        %swap3A_96 = arith.constant 32 : index
        %swap3A_97 = tpu.vector_load %arg8[%swap3A_95, %swap3A_96] {strides = array<i32>} : memref<128x128xf32, #tpu.memory_space<vmem>>, vector<16xf32>,
        tpu.vector_store %arg8[%swap3A_95, %swap3A_96], %gather3A {strides = array<i32>} : memref<128x128xf32, #tpu.memory_space<vmem>>, vector<16xf32>,
        %swap3A_98 = arith.index_cast %scan3A_85 : i32 to index
        %swap3A_99 = arith.constant 48 : index
        %swap3A_100 = tpu.vector_load %arg8[%swap3A_98, %swap3A_99] {strides = array<i32>} : memref<128x128xf32, #tpu.memory_space<vmem>>, vector<16xf32>,
        tpu.vector_store %arg8[%swap3A_98, %swap3A_99], %gather3A {strides = array<i32>} : memref<128x128xf32, #tpu.memory_space<vmem>>, vector<16xf32>,
        %swap3A_101 = arith.index_cast %scan3A_85 : i32 to index
        %swap3A_102 = arith.constant 64 : index
        %swap3A_103 = tpu.vector_load %arg8[%swap3A_101, %swap3A_102] {strides = array<i32>} : memref<128x128xf32, #tpu.memory_space<vmem>>, vector<16xf32>,
        tpu.vector_store %arg8[%swap3A_101, %swap3A_102], %gather3A {strides = array<i32>} : memref<128x128xf32, #tpu.memory_space<vmem>>, vector<16xf32>,
        %swap3A_104 = arith.index_cast %scan3A_85 : i32 to index
        %swap3A_105 = arith.constant 80 : index
        %swap3A_106 = tpu.vector_load %arg8[%swap3A_104, %swap3A_105] {strides = array<i32>} : memref<128x128xf32, #tpu.memory_space<vmem>>, vector<16xf32>,
        tpu.vector_store %arg8[%swap3A_104, %swap3A_105], %gather3A {strides = array<i32>} : memref<128x128xf32, #tpu.memory_space<vmem>>, vector<16xf32>,
        %swap3A_107 = arith.index_cast %scan3A_85 : i32 to index
        %swap3A_108 = arith.constant 96 : index
        %swap3A_109 = tpu.vector_load %arg8[%swap3A_107, %swap3A_108] {strides = array<i32>} : memref<128x128xf32, #tpu.memory_space<vmem>>, vector<16xf32>,
        tpu.vector_store %arg8[%swap3A_107, %swap3A_108], %gather3A {strides = array<i32>} : memref<128x128xf32, #tpu.memory_space<vmem>>, vector<16xf32>,
        %swap3A_110 = arith.index_cast %scan3A_85 : i32 to index
        %swap3A_111 = arith.constant 112 : index
        %swap3A_112 = tpu.vector_load %arg8[%swap3A_110, %swap3A_111] {strides = array<i32>} : memref<128x128xf32, #tpu.memory_space<vmem>>, vector<16xf32>,
        tpu.vector_store %arg8[%swap3A_110, %swap3A_111], %gather3A {strides = array<i32>} : memref<128x128xf32, #tpu.memory_space<vmem>>, vector<16xf32>,
        %scan3A_113 = arith.constant 0 : i32
        scf.yield %scan3A_113 : i32
      }
      %scan3A_80 = arith.constant 128 : i32
      %mul3A_81 = arith.constant 640 : i32
      %mul3A_82 = arith.muli %arg1, %mul3A_81 : i32
      %add3A_83 = arith.constant 512 : i32
      %add3A_84 = arith.addi %mul3A_82, %add3A_83 : i32
      "tpu.region"() ({
        %run_scoped3A = tpu.sem_alloc : memref<!tpu.dma_semaphore, #tpu.memory_space<semaphore_mem>>
        %dma_start3A = arith.constant 0 : i32
        %dma_start3A_85 = tpu.memref_slice %arg3[%add3A_84, %dma_start3A] : memref<10240x128xf32, #tpu.memory_space<hbm>> -> memref<128x128xf32, #tpu.memory_space<hbm>>
        %dma_start3A_86 = arith.constant 0 : i32
        %dma_start3A_87 = tpu.memref_slice %arg3[%add3A_84, %dma_start3A_86] : memref<10240x128xf32, #tpu.memory_space<hbm>> -> memref<128x128xf32, #tpu.memory_space<hbm>>
        tpu.enqueue_dma source(%arg8 : memref<128x128xf32, #tpu.memory_space<vmem>>) target(%dma_start3A_87 : memref<128x128xf32, #tpu.memory_space<hbm>>) target_semaphore(%run_scoped3A : memref<!tpu.dma_semaphore, #tpu.memory_space<semaphore_mem>>)
        %dma_wait3A = arith.constant 0 : i32
        %dma_wait3A_88 = tpu.memref_slice %arg3[%add3A_84, %dma_wait3A] : memref<10240x128xf32, #tpu.memory_space<hbm>> -> memref<128x128xf32, #tpu.memory_space<hbm>>
        %dma_wait3A_89 = arith.constant 0 : i32
        %dma_wait3A_90 = tpu.memref_slice %arg3[%add3A_84, %dma_wait3A_89] : memref<10240x128xf32, #tpu.memory_space<hbm>> -> memref<128x128xf32, #tpu.memory_space<hbm>>
        tpu.wait_dma2 semaphore(%run_scoped3A : memref<!tpu.dma_semaphore, #tpu.memory_space<semaphore_mem>>) src(%arg8 : memref<128x128xf32, #tpu.memory_space<vmem>>) dst(%dma_wait3A_90 : memref<128x128xf32, #tpu.memory_space<hbm>>)
        tpu.yield
      }) : () -> ()
    } else {
    }
    return
  }
}

module attributes {stable_mosaic.version = 14 : i64} {
  func.func @_pre_body(%arg0: i32, %arg1: memref<1024x128xf32, #tpu.memory_space<vmem>>, %arg2: memref<128x128xf32, #tpu.memory_space<vmem>>, %arg3: memref<1024x128xf32, #tpu.memory_space<vmem>>, %arg4: memref<1024x128xf32, #tpu.memory_space<vmem>>, %arg5: memref<1024x128xf32, #tpu.memory_space<vmem>>) attributes {dimension_semantics = [#tpu.dimension_semantics<arbitrary>], iteration_bounds = array<i64: 10>, scalar_prefetch = 0 : i64, scratch_operands = 0 : i64, tpu.core_type = #tpu.core_type<tc>, window_params = [{transform_indices = @transform_0, window_bounds = array<i64: 1024, 128>}, {pipeline_mode = #tpu.pipeline_mode<synchronous>, transform_indices = @transform_1, window_bounds = array<i64: 128, 128>}, {transform_indices = @transform_2, window_bounds = array<i64: 1024, 128>}, {transform_indices = @transform_3, window_bounds = array<i64: 1024, 128>}, {transform_indices = @transform_4, window_bounds = array<i64: 1024, 128>}]} {
    %get3A = arith.constant 0 : index
    %get3A_0 = arith.constant 0 : index
    %get3A_1 = vector.load %arg1[%get3A, %get3A_0] : memref<1024x128xf32, #tpu.memory_space<vmem>>, vector<1024x128xf32>
    %get3A_2 = arith.constant 0 : index
    %get3A_3 = arith.constant 0 : index
    %get3A_4 = vector.load %arg2[%get3A_2, %get3A_3] : memref<128x128xf32, #tpu.memory_space<vmem>>, vector<128x128xf32>
    %dot_general3A = arith.constant dense<0.000000e+00> : vector<1024x128xf32>
    %dot_general3A_5 = tpu.matmul %get3A_1, %get3A_4, %dot_general3A {dimension_numbers = #tpu.dot_dimension_numbers<[1], [0], [0], [1], [0, 0, 1, 1], [], []>, precision = #tpu.contract_precision<fp32>, transpose_lhs_hint = false} : vector<1024x128xf32>, vector<128x128xf32>, vector<1024x128xf32> -> vector<1024x128xf32>
    %get3A_6 = arith.constant 0 : index
    %get3A_7 = arith.constant 0 : index
    %get3A_8 = vector.load %arg3[%get3A_6, %get3A_7] : memref<1024x128xf32, #tpu.memory_space<vmem>>, vector<1024x128xf32>
    %add3A = arith.constant 1.000000e+00 : f32
    %add3A_9 = vector.broadcast %add3A : f32 to vector<1024x128xf32>
    %add3A_10 = arith.addf %get3A_8, %add3A_9 : vector<1024x128xf32>
    %rsqrt3A = math.rsqrt %add3A_10 : vector<1024x128xf32>
    %mul3A = arith.mulf %dot_general3A_5, %rsqrt3A : vector<1024x128xf32>
    %swap3A = arith.constant 0 : index
    %swap3A_11 = arith.constant 0 : index
    %swap3A_12 = vector.load %arg4[%swap3A, %swap3A_11] : memref<1024x128xf32, #tpu.memory_space<vmem>>, vector<1024x128xf32>
    tpu.vector_store %arg4[%swap3A, %swap3A_11], %mul3A {strides = array<i32>} : memref<1024x128xf32, #tpu.memory_space<vmem>>, vector<1024x128xf32>,
    %swap3A_13 = arith.constant 0 : index
    %swap3A_14 = arith.constant 0 : index
    %swap3A_15 = vector.load %arg5[%swap3A_13, %swap3A_14] : memref<1024x128xf32, #tpu.memory_space<vmem>>, vector<1024x128xf32>
    tpu.vector_store %arg5[%swap3A_13, %swap3A_14], %rsqrt3A {strides = array<i32>} : memref<1024x128xf32, #tpu.memory_space<vmem>>, vector<1024x128xf32>,
    return
  }
  func.func @transform_0(%arg0: i32) -> (i32, i32) {
    %c0_i32 = arith.constant 0 : i32
    %c0_i32_0 = arith.constant 0 : i32
    return %arg0, %c0_i32 : i32, i32
  }
  func.func @transform_1(%arg0: i32) -> (i32, i32) {
    %c0_i32 = arith.constant 0 : i32
    %c0_i32_0 = arith.constant 0 : i32
    %c0_i32_1 = arith.constant 0 : i32
    return %c0_i32, %c0_i32_0 : i32, i32
  }
  func.func @transform_2(%arg0: i32) -> (i32, i32) {
    %c0_i32 = arith.constant 0 : i32
    %c0_i32_0 = arith.constant 0 : i32
    return %arg0, %c0_i32 : i32, i32
  }
  func.func @transform_3(%arg0: i32) -> (i32, i32) {
    %c0_i32 = arith.constant 0 : i32
    %c0_i32_0 = arith.constant 0 : i32
    return %arg0, %c0_i32 : i32, i32
  }
  func.func @transform_4(%arg0: i32) -> (i32, i32) {
    %c0_i32 = arith.constant 0 : i32
    %c0_i32_0 = arith.constant 0 : i32
    return %arg0, %c0_i32 : i32, i32
  }
}

module attributes {stable_mosaic.version = 14 : i64} {
  func.func @_post_body(%arg0: i32, %arg1: memref<2x1024x128xf32, #tpu.memory_space<vmem>>, %arg2: memref<1024x128xf32, #tpu.memory_space<vmem>>, %arg3: memref<1024x128xf32, #tpu.memory_space<vmem>>, %arg4: memref<1x128xf32, #tpu.memory_space<vmem>>, %arg5: memref<1x128xf32, #tpu.memory_space<vmem>>, %arg6: memref<1024x128xf32, #tpu.memory_space<vmem>>) attributes {dimension_semantics = [#tpu.dimension_semantics<arbitrary>], iteration_bounds = array<i64: 10>, scalar_prefetch = 0 : i64, scratch_operands = 0 : i64, tpu.core_type = #tpu.core_type<tc>, window_params = [{transform_indices = @transform_0, window_bounds = array<i64: 2, 1024, 128>}, {transform_indices = @transform_1, window_bounds = array<i64: 1024, 128>}, {transform_indices = @transform_2, window_bounds = array<i64: 1024, 128>}, {pipeline_mode = #tpu.pipeline_mode<synchronous>, transform_indices = @transform_3, window_bounds = array<i64: 1, 128>}, {pipeline_mode = #tpu.pipeline_mode<synchronous>, transform_indices = @transform_4, window_bounds = array<i64: 1, 128>}, {transform_indices = @transform_5, window_bounds = array<i64: 1024, 128>}]} {
    %get3A = arith.constant 0 : index
    %get3A_0 = arith.constant 0 : index
    %get3A_1 = arith.constant 0 : index
    %get3A_2 = vector.load %arg1[%get3A, %get3A_0, %get3A_1] : memref<2x1024x128xf32, #tpu.memory_space<vmem>>, vector<1x1024x128xf32>
    %get3A_3 = vector.shape_cast %get3A_2 : vector<1x1024x128xf32> to vector<1024x128xf32>
    %get3A_4 = arith.constant 1 : index
    %get3A_5 = arith.constant 0 : index
    %get3A_6 = arith.constant 0 : index
    %get3A_7 = vector.load %arg1[%get3A_4, %get3A_5, %get3A_6] : memref<2x1024x128xf32, #tpu.memory_space<vmem>>, vector<1x1024x128xf32>
    %get3A_8 = vector.shape_cast %get3A_7 : vector<1x1024x128xf32> to vector<1024x128xf32>
    %add3A = arith.addf %get3A_3, %get3A_8 : vector<1024x128xf32>
    %get3A_9 = arith.constant 0 : index
    %get3A_10 = arith.constant 0 : index
    %get3A_11 = vector.load %arg2[%get3A_9, %get3A_10] : memref<1024x128xf32, #tpu.memory_space<vmem>>, vector<1024x128xf32>
    %add3A_12 = arith.addf %add3A, %get3A_11 : vector<1024x128xf32>
    %get3A_13 = arith.constant 0 : index
    %get3A_14 = arith.constant 0 : index
    %get3A_15 = vector.load %arg3[%get3A_13, %get3A_14] : memref<1024x128xf32, #tpu.memory_space<vmem>>, vector<1024x128xf32>
    %mul3A = arith.mulf %get3A_15, %add3A_12 : vector<1024x128xf32>
    %get3A_16 = arith.constant 0 : index
    %get3A_17 = arith.constant 0 : index
    %get3A_18 = vector.load %arg4[%get3A_16, %get3A_17] : memref<1x128xf32, #tpu.memory_space<vmem>>, vector<1x128xf32>
    %add3A_19 = vector.broadcast %get3A_18 : vector<1x128xf32> to vector<1024x128xf32>
    %add3A_20 = arith.addf %mul3A, %add3A_19 : vector<1024x128xf32>
    %gt3A = arith.constant 0.000000e+00 : f32
    %gt3A_21 = vector.broadcast %gt3A : f32 to vector<1024x128xf32>
    %gt3A_22 = arith.cmpf ogt, %add3A_20, %gt3A_21 : vector<1024x128xf32>
    %get3A_23 = arith.constant 0 : index
    %get3A_24 = arith.constant 0 : index
    %get3A_25 = vector.load %arg5[%get3A_23, %get3A_24] : memref<1x128xf32, #tpu.memory_space<vmem>>, vector<1x128xf32>
    %mul3A_26 = vector.broadcast %get3A_25 : vector<1x128xf32> to vector<1024x128xf32>
    %mul3A_27 = arith.mulf %mul3A_26, %add3A_20 : vector<1024x128xf32>
    %select_n3A = arith.select %gt3A_22, %add3A_20, %mul3A_27 : vector<1024x128xi1>, vector<1024x128xf32>
    %swap3A = arith.constant 0 : index
    %swap3A_28 = arith.constant 0 : index
    %swap3A_29 = vector.load %arg6[%swap3A, %swap3A_28] : memref<1024x128xf32, #tpu.memory_space<vmem>>, vector<1024x128xf32>
    tpu.vector_store %arg6[%swap3A, %swap3A_28], %select_n3A {strides = array<i32>} : memref<1024x128xf32, #tpu.memory_space<vmem>>, vector<1024x128xf32>,
    return
  }
  func.func @transform_0(%arg0: i32) -> (i32, i32, i32) {
    %c0_i32 = arith.constant 0 : i32
    %c0_i32_0 = arith.constant 0 : i32
    %c0_i32_1 = arith.constant 0 : i32
    return %c0_i32, %arg0, %c0_i32_0 : i32, i32, i32
  }
  func.func @transform_1(%arg0: i32) -> (i32, i32) {
    %c0_i32 = arith.constant 0 : i32
    %c0_i32_0 = arith.constant 0 : i32
    return %arg0, %c0_i32 : i32, i32
  }
  func.func @transform_2(%arg0: i32) -> (i32, i32) {
    %c0_i32 = arith.constant 0 : i32
    %c0_i32_0 = arith.constant 0 : i32
    return %arg0, %c0_i32 : i32, i32
  }
  func.func @transform_3(%arg0: i32) -> (i32, i32) {
    %c0_i32 = arith.constant 0 : i32
    %c0_i32_0 = arith.constant 0 : i32
    %c0_i32_1 = arith.constant 0 : i32
    return %c0_i32, %c0_i32_0 : i32, i32
  }
  func.func @transform_4(%arg0: i32) -> (i32, i32) {
    %c0_i32 = arith.constant 0 : i32
    %c0_i32_0 = arith.constant 0 : i32
    %c0_i32_1 = arith.constant 0 : i32
    return %c0_i32, %c0_i32_0 : i32, i32
  }
  func.func @transform_5(%arg0: i32) -> (i32, i32) {
    %c0_i32 = arith.constant 0 : i32
    %c0_i32_0 = arith.constant 0 : i32
    return %arg0, %c0_i32 : i32, i32
  }
}

</mosaic_0001>

<sc_bundles>
// kernel: kernel.6.cloned.1.call-start
scs
__scs_entry_jumppad:
0x0: {  	(pc) =	sbr.rel $0x88, $3  }
0x1: {  	(tag) =	ssettag $0x0;
	lr =	simm.s32 $0x1  }
0x2: {  	[smem:$0x3F9C] =	sst lr;
	_ =	strace $0xD0000000  }
0x3: {  	_ = 	snop  }
0x4: {  	_ = 	snop  }
0x5: {  	_ = 	snop  }
0x6: {  	_ = 	snop  }
0x7: {  	_ = 	snop  }
__scs_overlays_trampoline_lowered:
0x8: {  	[smem:$0x3FAB] =	sst s0  }
0x9: {  	[smem:$0x3FAC] =	sst s1  }
0xa: {  	[smem:$0x3FAD] =	sst s2  }
0xb: {  	[smem:$0x3FAE] =	sst s3  }
0xc: {  	[smem:$0x3FAF] =	sst s4  }
0xd: {  	[smem:$0x3FB0] =	sst s5  }
0xe: {  	[smem:$0x3FB1] =	sst s6  }
0xf: {  	[smem:$0x3FB2] =	sst s7  }
0x10: {  	[smem:$0x3FB3] =	sst s8  }
0x11: {  	[smem:$0x3FB4] =	sst s9;
	s0 =	simm.s32 @!p0 $0x0  }
0x12: {  	s1 =	sld [smem:$0x3F9A];
	s0 =	simm.s32 @p0 $0x1  }
0x13: {  	[smem:$0x3FB5] =	sst s0;
	s0 =	simm.s32 @!p1 $0x0  }
0x14: {  	s2 =	sld [smem:$0x3F99];
	s0 =	simm.s32 @p1 $0x1  }
0x15: {  	[smem:$0x3FB6] =	sst s0;
	s0 =	simm.s32 @!p2 $0x0  }
0x16: {  	s3 =	sld [smem:$0x3FDB];
	s0 =	simm.s32 @p2 $0x1  }
0x17: {  	s4 =	simm.s32 $0x1BF5;
	[smem:$0x3FB8] =	sst s0  }
0x18: {  	s0 =	sld [smem:$0x3F9B];
	_ =	swait.ge [sflag:s4], $0x0  }
0x19: {  	s7 =	sld [smem:$0x3F9C]  }
0x1a: {  	s8 =	sadd.s32 $0xFFFFE003, lr  }
0x1b: {  	s9 =	sadd.s32 $0xFFFFFEF7, lr;
	s5 =	simm.s32 $0xFFFFFFFF;
	p2 =	slt.u32 s8, $0xFFFFF086  }
0x1c: {  	p1 =	slt.u32 s9, $0xF7A;
	s5 =	simm.s32 @!p2 $0x0  }
0x1d: {  	s5 =	simm.s32 @p1 $0x1;
	p0 =	seq.s32 s7, s2  }
0x1e: {  	s7 =	smul.u32 @!p0 $0xF7A, s2;
	p2 =	seq.s32 @!p0 s5, $0x0  }
0x1f: {  	s9 =	smul.u32 $0xF7A, s1;
	s8 =	simm.s32 @!p0 $0x1BF5;
	p2 =	por !p2, p0  }
0x20: {  	[sflag:s8] =	ssyncset.s32 @!p0 $0xFFFFF086;
	s6 =	sadd.s32 @!p0 s3, s7;
	s7 =	simm.s32 @!p0 $0x108  }
0x21: {  	s3 =	sadd.s32 s3, s9;
	s6 =	sadd.s32 @!p0 $0x88, s6;
	s7 =	simm.s32 @p2 $0x1082  }
0x22: {  	[simem:s7], [sflag:s8] =	dma.local @!p0 [hbm:s6], $0xF7A  }
0x23: {  	s9 =	sor.u32 $0xD0000000, s2;
	s6 =	simm.s32 $0x108;
	_ =	swait.ge @!p0 [sflag:s8], $0x0  }
0x24: {  	s3 =	sadd.s32 $0x88, s3;
	s6 =	simm.s32 @!p1 $0x1082;
	[sflag:s4] =	ssyncset.s32 $0xFFFFF086  }
0x25: {  	[simem:s6], [sflag:s4] =	dma.local [hbm:s3], $0xF7A  }
0x26: {  	[smem:$0x3F9C] =	sst s1;
	(tag) =	ssettag s2;
	_ =	strace s9  }
0x27: {  	s1 =	sld [smem:$0x3FAC]  }
0x28: {  	s2 =	sld [smem:$0x3FAD]  }
0x29: {  	s4 =	sld [smem:$0x3FAF]  }
0x2a: {  	p0 =	seq.s32 s5, $0x0;
	s5 =	sld [smem:$0x3FB0]  }
0x2b: {  	s6 =	sld [smem:$0x3FB1]  }
0x2c: {  	s7 =	sld [smem:$0x3FB2]  }
0x2d: {  	s3 =	simm.s32 $0x108;
	s8 =	sld [smem:$0x3FB3]  }
0x2e: {  	s3 =	simm.s32 @!p0 $0x1082;
	s9 =	sld [smem:$0x3FB4]  }
0x2f: {  	lr =	sadd.s32 s0, s3;
	s0 =	sld [smem:$0x3FAB]  }
0x30: {  	s3 =	sld [smem:$0x3FAE]  }
0x31: {  	[smem:$0x3FB7] =	sst s10  }
0x32: {  	s10 =	sld [smem:$0x3FB5];
	_ =	sdelay $0x3  }
0x33: {  	p0 =	seq.s32 s10, $0x1;
	s10 =	sld [smem:$0x3FB7];
	_ =	sdelay $0x3  }
0x34: {  	[smem:$0x3FB7] =	sst s10  }
0x35: {  	s10 =	sld [smem:$0x3FB6];
	_ =	sdelay $0x3  }
0x36: {  	p1 =	seq.s32 s10, $0x1;
	s10 =	sld [smem:$0x3FB7];
	_ =	sdelay $0x3  }
0x37: {  	[smem:$0x3FB7] =	sst s10  }
0x38: {  	s10 =	sld [smem:$0x3FB8]  }
0x39: {  	_ = 	snop;
	(pc) =	sbr.ind lr, $3  }
0x3a: {  	_ = 	snop  }
0x3b: {  	_ = 	snop  }
0x3c: {  	p2 =	seq.s32 s10, $0x1;
	s10 =	sld [smem:$0x3FB7]  }
0x3d: {  	_ =	shalt  }
0x3e: {  	_ =	shalt  }
0x3f: {  	_ =	shalt  }
0x40: {  	_ =	shalt  }
0x41: {  	_ =	shalt  }
0x42: {  	_ =	shalt  }
0x43: {  	_ =	shalt  }
0x44: {  	_ =	shalt  }
0x45: {  	_ =	shalt  }
0x46: {  	_ =	shalt  }
0x47: {  	_ =	shalt  }
0x48: {  	_ =	shalt  }
0x49: {  	_ =	shalt  }
0x4a: {  	_ =	shalt  }
0x4b: {  	_ =	shalt  }
0x4c: {  	_ =	shalt  }
0x4d: {  	_ =	shalt  }
0x4e: {  	_ =	shalt  }
0x4f: {  	_ =	shalt  }
0x50: {  	_ =	shalt  }
0x51: {  	_ =	shalt  }
0x52: {  	_ =	shalt  }
0x53: {  	_ =	shalt  }
0x54: {  	_ =	shalt  }
0x55: {  	_ =	shalt  }
0x56: {  	_ =	shalt  }
0x57: {  	_ =	shalt  }
0x58: {  	_ =	shalt  }
0x59: {  	_ =	shalt  }
0x5a: {  	_ =	shalt  }
0x5b: {  	_ =	shalt  }
0x5c: {  	_ =	shalt  }
0x5d: {  	_ =	shalt  }
0x5e: {  	_ =	shalt  }
0x5f: {  	_ =	shalt  }
0x60: {  	_ =	shalt  }
0x61: {  	_ =	shalt  }
0x62: {  	_ =	shalt  }
0x63: {  	_ =	shalt  }
0x64: {  	_ =	shalt  }
0x65: {  	_ =	shalt  }
0x66: {  	_ =	shalt  }
0x67: {  	_ =	shalt  }
0x68: {  	_ =	shalt  }
0x69: {  	_ =	shalt  }
0x6a: {  	_ =	shalt  }
0x6b: {  	_ =	shalt  }
0x6c: {  	_ =	shalt  }
0x6d: {  	_ =	shalt  }
0x6e: {  	_ =	shalt  }
0x6f: {  	_ =	shalt  }
0x70: {  	_ =	shalt  }
0x71: {  	_ =	shalt  }
0x72: {  	_ =	shalt  }
0x73: {  	_ =	shalt  }
0x74: {  	_ =	shalt  }
0x75: {  	_ =	shalt  }
0x76: {  	_ =	shalt  }
0x77: {  	_ =	shalt  }
0x78: {  	_ =	shalt  }
0x79: {  	_ =	shalt  }
0x7a: {  	_ =	shalt  }
0x7b: {  	_ =	shalt  }
0x7c: {  	_ =	shalt  }
0x7d: {  	_ =	shalt  }
0x7e: {  	_ =	shalt  }
0x7f: {  	_ =	shalt  }
0x80: {  	_ =	shalt  }
0x81: {  	_ =	shalt  }
0x82: {  	_ =	shalt  }
0x83: {  	_ =	shalt  }
0x84: {  	_ =	shalt  }
0x85: {  	_ =	shalt  }
0x86: {  	_ =	shalt  }
0x87: {  	_ =	shalt  }
.Lfunc_end0:
.L_simem_size_0:
called_computation_lowered:
.L_overlay_start_0:
0x88: {  	s2 =	sld [smem:$0x3FD9]  }
0x89: {  	s3 =	sld [smem:$0x3FFE];
	_ =	sdelay $0x1  }
0x8a: {  	s1 =	srdreg.scid  }
0x8b: {  	s0 =	sand.u32 $0x1, s1  }
0x8c: {  	s16 =	sshll.u32 s0, $0xA;
	s2 =	sadd.s32 s3, s2  }
0x8d: {  	s2 =	sadd.s32 s2, s16  }
0x8e: {  	[smem:$0x3FC3] =	sst s2  }
0x8f: {  	_ = 	snop  }
0x90: {  	(tm) =	ssettm $0x1  }
0x91: {  	s17 =	sld [smem:$0x3FFB];
	_ =	sdelay $0x3  }
0x92: {  	_ =	strace s17  }
0x93: {  	s2 =	sld [smem:$0x3FFC];
	_ =	sdelay $0x3  }
0x94: {  	_ =	strace s2  }
0x95: {  	s2 =	sld [smem:$0x3FFD];
	_ =	sdelay $0x3  }
0x96: {  	_ =	strace s2  }
0x97: {  	_ =	strace $0x8FFFFFFF  }
0x98: {  	s18 =	sld [smem:$0x3FDB];
	_ =	sdelay $0x1  }
0x99: {  	s19 =	simm.s32 $_scs_section_size  }
0x9a: {  	s4 =	simm.s32 $_size__tile_overlayer_lowered;
	s5 =	simm.s32 $_tile_overlayer_lowered  }
0x9b: {  	s22 =	simm.s32 $0x1BFF;
	s21 =	sshll.u32 s5, $0x1;
	s2 =	sadd.s32 s19, s18  }
0x9c: {  	s6 =	simm.s32 $0x0;
	s20 =	sshll.u32 s4, $0x1;
	s4 =	sadd.s32 s21, s2  }
0x9d: {  	[timem:s6], [sflag:s22] =	dma.local [hbm:s4], s20  }
0x9e: {  	_ =	swait.ge [sflag:s22], s20  }
0x9f: {  	s3 =	ssub.s32 $0x0, s20;
	[sflag:s22] =	ssyncset.done $0x0  }
0xa0: {  	[sflag:s22] =	ssyncadd.s32 s3;
	_ =	sdelay $0x1  }
0xa1: {  	s23 =	simm.s32 $0x1B8B  }
0xa2: {  	_ =	swait.ge [sflag:s23], $0x1  }
0xa3: {  	[sflag:s23] =	ssyncset.done $0x0  }
0xa4: {  	s25 =	simm.s32 $0x1B8E;
	s24 =	sld [smem:$0x3FFE];
	[sflag:s23] =	ssyncadd.s32 $0xFFFFFFFF  }
0xa5: {  	s26 =	simm.s32 $execute0_lowered;
	[smem:$0x3FD2] =	sst s25  }
0xa6: {  	s4 =	sshll.u32 s26, $0x1;
	_ =	strace $0x80000046;
	[dreg:$0x1] =	wrdreg $0xFFFFFFFF  }
0xa7: {  	s28 =	simm.s32 $_size_execute0_lowered;
	s2 =	sadd.s32 s2, s4;
	[dreg:$0x0] =	wrdreg $0x0  }
0xa8: {  	s4 =	sshll.u32 s28, $0x1;
	[dreg:$0x2] =	wrdreg s2  }
0xa9: {  	[dreg:$0x3] =	wrdreg s4  }
0xaa: {  	[dreg:$0x4] =	wrdreg $0xC0  }
0xab: {  	_ =	task [dreg:s6], $0x5FFFF  }
0xac: {  	[dreg:$0x1] =	wrdreg $0xFFFFFFFF  }
0xad: {  	[dreg:$0x0] =	wrdreg $0x60  }
0xae: {  	[dreg:$0x2] =	wrdreg s24  }
0xaf: {  	[dreg:$0x3] =	wrdreg $0xBA800  }
0xb0: {  	[dreg:$0x4] =	wrdreg $0x9  }
0xb1: {  	_ =	task.clear_ibuf [dreg:s6], $0x5FFFF;
	_ =	strace $0x90000046  }
0xb2: {  	s29 =	simm.s32 $0x9;
	_ =	strace $0x80000048  }
0xb3: {  	_ =	swait.ge [sflag:s29], $0x1  }
0xb4: {  	[sflag:s29] =	ssyncadd.s32 $0xFFFFFFFF  }
0xb5: {  	_ =	strace $0x90000048  }
0xb6: {  	_ =	sfence  }
0xb7: {  	s30 =	sld [smem:$0x0];
	_ =	sdelay $0x2  }
0xb8: {  	s31 =	sshll.u32 s1, $0xD;
	s1 =	sshrl.u32 s1, $0x2  }
0xb9: {  	s3 =	sand.u32 $0x4000, s31;
	s1 =	sadd.s32 s1, s30  }
0xba: {  	s0 =	sor.u32 s3, s0;
	s1 =	sshll.u32 s1, $0x11  }
0xbb: {  	s0 =	sor.u32 s1, s0  }
0xbc: {  	s0 =	sadd.s32 $0x8F2B, s0  }
0xbd: {  	[sflag:s0] =	ssyncadd.remote.s32 $0x1  }
0xbe: {  	_ =	sfence.sel $0xFFFF  }
0xbf: {  	[dreg:$0x0] =	wrdreg $0xFFFFFFFF;
	(pc) =	sbr.abs _section_cstart, $3  }
0xc0: {  	[dreg:$0x1] =	wrdreg $0xFFFFFFFF  }
0xc1: {  	_ =	task.clear_ibuf [dreg:s6], $0x2FFFF;
	_ =	strace $0x9FFFFFFF  }
0xc2: {  	(tm) =	ssettm $0x7FFFFFFF  }
0xc3: {  	_ =	shalt  }
tec
execute0_lowered:
.L_overlay_start_1:
0x0: {  	(tag) =	ssettag $0x1  }
0x1: {  	s3 =	rddreg [dreg:$0x0]  }
0x2: {  	s6 =	rddreg [dreg:$0x1]  }
0x3: {  	s0 =	rddreg [dreg:$0x2];
	s1 =	stileid.u32  }
0x4: {  	s2 =	simm.s32 $0x0;
	s4 =	srdreg.scid;
	s14 =	simm.s32 $0x2800  }
0x5: {  	s15 =	simm.s32 $0x80;
	s16 =	simm.s32 $0x400;
	s17 =	simm.s32 $0x1400  }
0x6: {  	s18 =	simm.s32 $0x14000;
	s19 =	simm.s32 $0x5000;
	s21 =	simm.s32 $0x7A80  }
0x7: {  	s22 =	simm.s32 $0x0;
	s7 =	smul.u32 $0x5000, s1;
	[smem:$0x7FF] =	sst s2  }
0x8: {  	s20 =	sand.u32 $0x1, s4;
	s9 =	sshrl.u32 s1, $0x3;
	s31 =	smul.u32 $0x14000, s1  }
0x9: {  	s10 =	sadd.s32 $0xBC00, s3;
	s30 =	sshll.u32 s1, $0x7;
	s11 =	smul.u32 $0x2800, s1  }
0xa: {  	_ =	strace $0x80000047;
	s5 =	ssub.s32 $0x2, s20;
	s29 =	smul.u32 $0x50000, s9  }
0xb: {  	p0 =	sne.s32 s20, $0x0;
	s20 =	simm.s32 $0x7800;
	s28 =	sshrl.u32 s7, $0x3  }
0xc: {  	s8 =	sshrl.u32 s5, $0x1;
	s9 =	sshrl.u32 s31, $0x3;
	s7 =	sshrl.u32 s7, $0x2  }
0xd: {  	s4 =	sadd.s32 s28, s3;
	s12 =	ssub.s32 s5, s8;
	s8 =	sand.u32 $0x380, s30  }
.Ltmp0:
0xe: {  	s5 =	sshrl.u32 s29, $0x2;
	s13 =	sadd.s32 s10, s9;
	(pc) =	sbr.rel .LBB2_1-.Ltmp0, $4  }
0xf: {  	s3 =	sadd.s32 $0x1C00, s4;
	s4 =	sadd.s32 $0x2100, s4;
	s5 =	sadd.s32 s5, s6  }
0x10: {  	s6 =	sadd.s32 s7, s6;
	s7 =	sadd.s32 s10, s11;
	s9 =	sadd.s32 $0x1000, s13  }
0x11: {  	s10 =	sadd.s32 $0x1800, s13;
	s11 =	sadd.s32 $0x2000, s13;
	s12 =	smax.u32 s12, $0x1  }
0x12: {  	v0 =	vimm.f32 $0.0e+00;
	v1 =	vimm.f32 $1.000000000e+00;
	s5 =	sadd.s32 s8, s5;
	s8 =	sadd.s32 $0x800, s13;
	s13 =	simm.s32 $0x1  }
.LBB2_20:
0x13: {  	[tilespmem:s23+$0x0] =	vst v2  }
0x14: {  	[tilespmem:s23+$0x10] =	vst v2  }
0x15: {  	[tilespmem:s23+$0x20] =	vst v2  }
0x16: {  	[tilespmem:s23+$0x30] =	vst v2  }
0x17: {  	v2 =	vld.idx.msk [tilespmem:v3+s20+$0x0], $0xffff;
	_ =	sdelay $0x3  }
0x18: {  	s31 =	sadd.s32 $0x80, s23  }
0x19: {  	[tilespmem:s31+$0xFFFFFFC0] =	vst v2  }
0x1a: {  	[tilespmem:s31+$0xFFFFFFD0] =	vst v2  }
0x1b: {  	[tilespmem:s31+$0xFFFFFFE0] =	vst v2  }
0x1c: {  	[tilespmem:s31+$0xFFFFFFF0] =	vst v2  }
0x1d: {  	[tilespmem:s31+$0x0] =	vst v2  }
0x1e: {  	[tilespmem:s31+$0x10] =	vst v2  }
0x1f: {  	[tilespmem:s31+$0x20] =	vst v2  }
0x20: {  	[tilespmem:s31+$0x30] =	vst v2  }
0x21: {  	[hbm4b:s11+s2] =	stream.linear.scatter [tilespmem:s21], [sflag:$0x1], $0x4000, $0x38;
	[tilespmem:$0xE280] =	vst v63  }
0x22: {  	_ =	swait.ge [sflag:s13], $0x4000  }
0x23: {  	[sflag:s13] =	ssyncset.done $0x0  }
0x24: {  	[sflag:s13] =	ssyncadd.s32 $0xFFFFC000  }
.LBB2_21:
0x25: {  	s22 =	sadd.s32 $0x1, s22  }
0x26: {  	p1 =	sne.s32 s22, s12  }
.Ltmp1:
0x27: {  	_ = 	snop;
	(pc) =	sbr.rel @!p1 .LBB2_22-.Ltmp1, $1  }
0x28: {  	_ =	sdelay $0x3  }
.LBB2_1:
0x29: {  	s23 =	simm.s32 $0x40;
	s24 =	simm.s32 $0x0  }
.LBB2_2:
0x2a: {  	p1 =	sne.s32 s23, $0x9FC0;
	[tilespmem:s24+$0x2800] =	vst v0;
	s24 =	smov.u32 s23;
	s23 =	sadd.s32 $0x40, s23  }
.Ltmp2:
0x2b: {  	(pc) =	sbr.rel @p1 .LBB2_2-.Ltmp2, $2  }
0x2c: {  	_ =	sdelay $0x2  }
0x2d: {  	s24 =	sshra.s32 s24, $0x2  }
0x2e: {  	[tilespmem:s24+$0x2800] =	vst v0;
	s23 =	simm.s32 $0x0  }
0x2f: {  	[tilespmem:s23], [sflag:$0x1] =	stream.linear.gather [hbm4b:s3+s23], $0x2800, $0x38;
	[tilespmem:$0xE280] =	vst v63  }
0x30: {  	_ =	swait.ge [sflag:s13], $0x2800  }
0x31: {  	[sflag:s13] =	ssyncset.done $0x0  }
0x32: {  	[sflag:s13] =	ssyncadd.s32 $0xFFFFD800  }
.LBB2_4:
0x33: {  	s24 =	sshra.s32 s23, $0x2  }
0x34: {  	v2 =	vld [tilespmem:s24+$0x0];
	_ =	sdelay $0x7  }
0x35: {  	[tilespmem:v2+s14+$0x0] =	vst.idx.add.f32.msk $0xffff, v1  }
0x36: {  	v2 =	vld [tilespmem:s24+$0x10];
	_ =	sdelay $0x7  }
0x37: {  	[tilespmem:v2+s14+$0x0] =	vst.idx.add.f32.msk $0xffff, v1  }
0x38: {  	v2 =	vld [tilespmem:s24+$0x20];
	_ =	sdelay $0x7  }
0x39: {  	[tilespmem:v2+s14+$0x0] =	vst.idx.add.f32.msk $0xffff, v1  }
0x3a: {  	v2 =	vld [tilespmem:s24+$0x30];
	_ =	sdelay $0x7  }
0x3b: {  	[tilespmem:v2+s14+$0x0] =	vst.idx.add.f32.msk $0xffff, v1  }
0x3c: {  	v2 =	vld [tilespmem:s24+$0x40];
	_ =	sdelay $0x7  }
0x3d: {  	[tilespmem:v2+s14+$0x0] =	vst.idx.add.f32.msk $0xffff, v1  }
0x3e: {  	v2 =	vld [tilespmem:s24+$0x50];
	_ =	sdelay $0x7  }
0x3f: {  	[tilespmem:v2+s14+$0x0] =	vst.idx.add.f32.msk $0xffff, v1  }
0x40: {  	v2 =	vld [tilespmem:s24+$0x60];
	_ =	sdelay $0x7  }
0x41: {  	[tilespmem:v2+s14+$0x0] =	vst.idx.add.f32.msk $0xffff, v1  }
0x42: {  	v2 =	vld [tilespmem:s24+$0x70];
	_ =	sdelay $0x2  }
0x43: {  	p1 =	sne.s32 s23, $0x9E00  }
.Ltmp3:
0x44: {  	_ = 	snop;
	(pc) =	sbr.rel @p1 .LBB2_4-.Ltmp3, $2  }
0x45: {  	_ =	sdelay $0x2  }
0x46: {  	s23 =	sadd.s32 $0x200, s23;
	[tilespmem:v2+s14+$0x0] =	vst.idx.add.f32.msk $0xffff, v1  }
0x47: {  	s23 =	simm.s32 $0x0  }
0x48: {  	[tilespmem:s23], [sflag:$0x1] =	stream.linear.gather [hbm4b:s4+s23], $0x2800, $0x38;
	[tilespmem:$0xE280] =	vst v63  }
0x49: {  	_ =	swait.ge [sflag:s13], $0x2800  }
0x4a: {  	[sflag:s13] =	ssyncset.done $0x0  }
0x4b: {  	[sflag:s13] =	ssyncadd.s32 $0xFFFFD800  }
.LBB2_6:
0x4c: {  	s24 =	sshra.s32 s23, $0x2  }
0x4d: {  	v2 =	vld [tilespmem:s24+$0x0];
	_ =	sdelay $0x7  }
0x4e: {  	[tilespmem:v2+s14+$0x0] =	vst.idx.add.f32.msk $0xffff, v1  }
0x4f: {  	v2 =	vld [tilespmem:s24+$0x10];
	_ =	sdelay $0x7  }
0x50: {  	[tilespmem:v2+s14+$0x0] =	vst.idx.add.f32.msk $0xffff, v1  }
0x51: {  	v2 =	vld [tilespmem:s24+$0x20];
	_ =	sdelay $0x7  }
0x52: {  	[tilespmem:v2+s14+$0x0] =	vst.idx.add.f32.msk $0xffff, v1  }
0x53: {  	v2 =	vld [tilespmem:s24+$0x30];
	_ =	sdelay $0x7  }
0x54: {  	[tilespmem:v2+s14+$0x0] =	vst.idx.add.f32.msk $0xffff, v1  }
0x55: {  	v2 =	vld [tilespmem:s24+$0x40];
	_ =	sdelay $0x7  }
0x56: {  	[tilespmem:v2+s14+$0x0] =	vst.idx.add.f32.msk $0xffff, v1  }
0x57: {  	v2 =	vld [tilespmem:s24+$0x50];
	_ =	sdelay $0x7  }
0x58: {  	[tilespmem:v2+s14+$0x0] =	vst.idx.add.f32.msk $0xffff, v1  }
0x59: {  	v2 =	vld [tilespmem:s24+$0x60];
	_ =	sdelay $0x7  }
0x5a: {  	[tilespmem:v2+s14+$0x0] =	vst.idx.add.f32.msk $0xffff, v1  }
0x5b: {  	v2 =	vld [tilespmem:s24+$0x70];
	_ =	sdelay $0x2  }
0x5c: {  	p1 =	sne.s32 s23, $0x9E00  }
.Ltmp4:
0x5d: {  	_ = 	snop;
	(pc) =	sbr.rel @p1 .LBB2_6-.Ltmp4, $2  }
0x5e: {  	_ =	sdelay $0x2  }
0x5f: {  	s23 =	sadd.s32 $0x200, s23;
	[tilespmem:v2+s14+$0x0] =	vst.idx.add.f32.msk $0xffff, v1  }
0x60: {  	[spmem:s5] =	stream.strided.scatter [tilespmem:s14], [sflag:$0x1], $0x2800, s16, s15, $0x38;
	[tilespmem:$0xE280] =	vst v63  }
0x61: {  	_ =	swait.ge [sflag:s13], $0x2800  }
0x62: {  	[sflag:s13] =	ssyncset.done $0x0  }
0x63: {  	[sflag:s13] =	ssyncadd.s32 $0xFFFFD800  }
0x64: {  	[bflag:$0x0] =	sbarrier.arrive $0xFFFF  }
0x65: {  	[tilespmem:s19], [sflag:$0x1] =	stream.strided.gather [spmem:s6], $0x2800, s18, s17, $0x38;
	[tilespmem:$0xE280] =	vst v63  }
0x66: {  	s23 =	simm.s32 $0x0;
	_ =	swait.ge [sflag:s13], $0x2800  }
0x67: {  	s24 =	sand.u32 $0x70, s23;
	s23 =	sand.u32 $0x1C00, s23;
	[sflag:s13] =	ssyncset.done $0x0  }
0x68: {  	s23 =	sor.u32 s24, s23;
	[sflag:s13] =	ssyncadd.s32 $0xFFFFD800  }
0x69: {  	v2 =	vld [tilespmem:s23+$0x5080]  }
0x6a: {  	v3 =	vld [tilespmem:s23+$0x5000];
	_ =	sdelay $0x1  }
0x6b: {  	v4 =	vld [tilespmem:s23+$0x5100];
	_ =	sdelay $0x1  }
0x6c: {  	v5 =	vld [tilespmem:s23+$0x5180]  }
0x6d: {  	v2 =	vadd.f32 v2, v3  }
0x6e: {  	v3 =	vld [tilespmem:s23+$0x5200]  }
0x6f: {  	v2 =	vadd.f32 v4, v2  }
0x70: {  	v56 =	vld [tilespmem:s23+$0x5280]  }
0x71: {  	v2 =	vadd.f32 v5, v2  }
0x72: {  	v57 =	vld [tilespmem:s23+$0x5300]  }
0x73: {  	v2 =	vadd.f32 v3, v2  }
0x74: {  	v3 =	vld [tilespmem:s23+$0x5380]  }
0x75: {  	v2 =	vadd.f32 v56, v2  }
0x76: {  	v58 =	vld [tilespmem:s23+$0x6400]  }
0x77: {  	v2 =	vadd.f32 v57, v2  }
0x78: {  	v59 =	vld [tilespmem:s23+$0x6480]  }
0x79: {  	v2 =	vadd.f32 v3, v2  }
0x7a: {  	v3 =	vld [tilespmem:s23+$0x6500]  }
0x7b: {  	v2 =	vadd.f32 v58, v2  }
0x7c: {  	v60 =	vld [tilespmem:s23+$0x6580]  }
0x7d: {  	v2 =	vadd.f32 v59, v2  }
0x7e: {  	v61 =	vld [tilespmem:s23+$0x6600]  }
0x7f: {  	v2 =	vadd.f32 v3, v2  }
0x80: {  	v3 =	vld [tilespmem:s23+$0x6680]  }
0x81: {  	v2 =	vadd.f32 v60, v2  }
0x82: {  	v62 =	vld [tilespmem:s23+$0x6700]  }
0x83: {  	v2 =	vadd.f32 v61, v2  }
0x84: {  	v63 =	vld [tilespmem:s23+$0x6780]  }
0x85: {  	v2 =	vadd.f32 v3, v2;
	_ =	sdelay $0x1  }
0x86: {  	v2 =	vadd.f32 v62, v2;
	_ =	sdelay $0x1  }
0x87: {  	s31 =	simm.s32 $0x10;
	s25 =	simm.s32 $0x80;
	v2 =	vadd.f32 v63, v2  }
0x88: {  	s26 =	sand.u32 $0x1C00, s25;
	s24 =	sand.u32 $0x70, s31;
	s23 =	simm.s32 $0x7800  }
0x89: {  	s24 =	sor.u32 s24, s26;
	s26 =	simm.s32 $0x20;
	[tilespmem:s23+$0x0] =	vst v2  }
.LBB2_8:
0x8a: {  	p1 =	sne.s32 s26, $0x270;
	v2 =	vld [tilespmem:s24+$0x5080]  }
0x8b: {  	v3 =	vld [tilespmem:s24+$0x5000];
	_ =	sdelay $0x1  }
0x8c: {  	v4 =	vld [tilespmem:s24+$0x5100];
	_ =	sdelay $0x1  }
0x8d: {  	v5 =	vld [tilespmem:s24+$0x5180]  }
0x8e: {  	v2 =	vadd.f32 v2, v3  }
0x8f: {  	v3 =	vld [tilespmem:s24+$0x5200]  }
0x90: {  	v2 =	vadd.f32 v4, v2  }
0x91: {  	v4 =	vld [tilespmem:s24+$0x5280]  }
0x92: {  	v2 =	vadd.f32 v5, v2  }
0x93: {  	v5 =	vld [tilespmem:s24+$0x5300]  }
0x94: {  	v2 =	vadd.f32 v3, v2  }
0x95: {  	v3 =	vld [tilespmem:s24+$0x5380]  }
0x96: {  	v2 =	vadd.f32 v4, v2  }
0x97: {  	v4 =	vld [tilespmem:s24+$0x6400]  }
0x98: {  	v2 =	vadd.f32 v5, v2  }
0x99: {  	v5 =	vld [tilespmem:s24+$0x6480]  }
0x9a: {  	v2 =	vadd.f32 v3, v2  }
0x9b: {  	v3 =	vld [tilespmem:s24+$0x6500]  }
0x9c: {  	v2 =	vadd.f32 v4, v2  }
0x9d: {  	v4 =	vld [tilespmem:s24+$0x6580]  }
0x9e: {  	v2 =	vadd.f32 v5, v2  }
0x9f: {  	v5 =	vld [tilespmem:s24+$0x6600]  }
0xa0: {  	v2 =	vadd.f32 v3, v2  }
0xa1: {  	v3 =	vld [tilespmem:s24+$0x6680]  }
0xa2: {  	v2 =	vadd.f32 v4, v2  }
0xa3: {  	v4 =	vld [tilespmem:s24+$0x6700]  }
0xa4: {  	v2 =	vadd.f32 v5, v2  }
0xa5: {  	v5 =	vld [tilespmem:s24+$0x6780]  }
0xa6: {  	v2 =	vadd.f32 v3, v2;
	_ =	sdelay $0x1  }
.Ltmp5:
0xa7: {  	v2 =	vadd.f32 v4, v2;
	(pc) =	sbr.rel @p1 .LBB2_8-.Ltmp5, $4  }
0xa8: {  	_ = 	snop  }
0xa9: {  	s25 =	sadd.s32 $0x80, s25;
	v2 =	vadd.f32 v5, v2  }
0xaa: {  	s23 =	sadd.s32 $0x10, s23;
	s28 =	sand.u32 $0x1C00, s25;
	s24 =	sand.u32 $0x70, s26  }
0xab: {  	s26 =	sadd.s32 $0x10, s26;
	s24 =	sor.u32 s24, s28;
	[tilespmem:s23+$0x0] =	vst v2  }
0xac: {  	v2 =	vld [tilespmem:s24+$0x5080]  }
0xad: {  	v3 =	vld [tilespmem:s24+$0x5000];
	_ =	sdelay $0x1  }
0xae: {  	v4 =	vld [tilespmem:s24+$0x5100];
	_ =	sdelay $0x1  }
0xaf: {  	v5 =	vld [tilespmem:s24+$0x5180]  }
0xb0: {  	v2 =	vadd.f32 v2, v3  }
0xb1: {  	v3 =	vld [tilespmem:s24+$0x5200]  }
0xb2: {  	v2 =	vadd.f32 v4, v2  }
0xb3: {  	v56 =	vld [tilespmem:s24+$0x5280]  }
0xb4: {  	v2 =	vadd.f32 v5, v2  }
0xb5: {  	v57 =	vld [tilespmem:s24+$0x5300]  }
0xb6: {  	v2 =	vadd.f32 v3, v2  }
0xb7: {  	v3 =	vld [tilespmem:s24+$0x5380]  }
0xb8: {  	v2 =	vadd.f32 v56, v2  }
0xb9: {  	v58 =	vld [tilespmem:s24+$0x6400]  }
0xba: {  	v2 =	vadd.f32 v57, v2  }
0xbb: {  	v59 =	vld [tilespmem:s24+$0x6480]  }
0xbc: {  	v2 =	vadd.f32 v3, v2  }
0xbd: {  	v3 =	vld [tilespmem:s24+$0x6500]  }
0xbe: {  	v2 =	vadd.f32 v58, v2  }
0xbf: {  	v60 =	vld [tilespmem:s24+$0x6580]  }
0xc0: {  	v2 =	vadd.f32 v59, v2  }
0xc1: {  	v61 =	vld [tilespmem:s24+$0x6600]  }
0xc2: {  	v2 =	vadd.f32 v3, v2  }
0xc3: {  	v3 =	vld [tilespmem:s24+$0x6680]  }
0xc4: {  	v2 =	vadd.f32 v60, v2  }
0xc5: {  	v62 =	vld [tilespmem:s24+$0x6700]  }
0xc6: {  	v2 =	vadd.f32 v61, v2  }
0xc7: {  	v63 =	vld [tilespmem:s24+$0x6780]  }
0xc8: {  	v2 =	vadd.f32 v3, v2;
	_ =	sdelay $0x1  }
.Ltmp6:
0xc9: {  	v2 =	vadd.f32 v62, v2;
	(pc) =	sbr.rel @p0 .LBB2_21-.Ltmp6, $4  }
0xca: {  	_ = 	snop  }
0xcb: {  	v2 =	vadd.f32 v63, v2  }
0xcc: {  	s23 =	sadd.s32 $0x10, s23  }
0xcd: {  	[tilespmem:s23+$0x0] =	vst v2  }
0xce: {  	s23 =	simm.s32 $0x0  }
0xcf: {  	v2 =	vmov s23;
	_ =	sdelay $0x4  }
0xd0: {  	v2 =	vld.idx.msk [tilespmem:v2+s20+$0x0], $0xffff;
	_ =	sdelay $0x3  }
0xd1: {  	s23 =	simm.s32 $0x7AC0  }
0xd2: {  	[tilespmem:s23+$0xFFFFFFC0] =	vst v2  }
0xd3: {  	[tilespmem:s23+$0xFFFFFFD0] =	vst v2  }
0xd4: {  	s24 =	simm.s32 $0x1;
	[tilespmem:s23+$0xFFFFFFE0] =	vst v2  }
0xd5: {  	v3 =	vmov s24;
	s24 =	simm.s32 $0x2;
	[tilespmem:s23+$0xFFFFFFF0] =	vst v2  }
.LBB2_11:
0xd6: {  	p1 =	sne.s32 s24, $0x7F;
	[tilespmem:s23+$0x0] =	vst v2  }
0xd7: {  	[tilespmem:s23+$0x10] =	vst v2  }
0xd8: {  	[tilespmem:s23+$0x20] =	vst v2  }
0xd9: {  	[tilespmem:s23+$0x30] =	vst v2  }
0xda: {  	v2 =	vld.idx.msk [tilespmem:v3+s20+$0x0], $0xffff;
	_ =	sdelay $0x4  }
.Ltmp7:
0xdb: {  	s23 =	sadd.s32 $0x80, s23;
	(pc) =	sbr.rel @p1 .LBB2_11-.Ltmp7, $4  }
0xdc: {  	[tilespmem:s23+$0xFFFFFFC0] =	vst v2  }
0xdd: {  	[tilespmem:s23+$0xFFFFFFD0] =	vst v2  }
0xde: {  	[tilespmem:s23+$0xFFFFFFE0] =	vst v2  }
0xdf: {  	v3 =	vmov s24;
	s24 =	sadd.s32 $0x1, s24;
	[tilespmem:s23+$0xFFFFFFF0] =	vst v2  }
0xe0: {  	[tilespmem:s23+$0x0] =	vst v2  }
0xe1: {  	[tilespmem:s23+$0x10] =	vst v2  }
0xe2: {  	[tilespmem:s23+$0x20] =	vst v2  }
0xe3: {  	[tilespmem:s23+$0x30] =	vst v2  }
0xe4: {  	v2 =	vld.idx.msk [tilespmem:v3+s20+$0x0], $0xffff;
	_ =	sdelay $0x3  }
0xe5: {  	s30 =	sadd.s32 $0x80, s23  }
0xe6: {  	[tilespmem:s30+$0xFFFFFFC0] =	vst v2  }
0xe7: {  	[tilespmem:s30+$0xFFFFFFD0] =	vst v2  }
0xe8: {  	[tilespmem:s30+$0xFFFFFFE0] =	vst v2  }
0xe9: {  	[tilespmem:s30+$0xFFFFFFF0] =	vst v2  }
0xea: {  	[tilespmem:s30+$0x0] =	vst v2  }
0xeb: {  	[tilespmem:s30+$0x10] =	vst v2  }
0xec: {  	s24 =	simm.s32 $0x80;
	[tilespmem:s30+$0x20] =	vst v2  }
0xed: {  	[tilespmem:s30+$0x30] =	vst v2;
	v2 =	vmov s24  }
0xee: {  	[hbm4b:s7+s2] =	stream.linear.scatter [tilespmem:s21], [sflag:$0x1], $0x4000, $0x38;
	[tilespmem:$0xE280] =	vst v63  }
0xef: {  	_ =	swait.ge [sflag:s13], $0x4000  }
0xf0: {  	[sflag:s13] =	ssyncset.done $0x0  }
0xf1: {  	[sflag:s13] =	ssyncadd.s32 $0xFFFFC000  }
0xf2: {  	v2 =	vld.idx.msk [tilespmem:v2+s20+$0x0], $0xffff;
	_ =	sdelay $0x3  }
0xf3: {  	s23 =	simm.s32 $0x7AC0  }
0xf4: {  	[tilespmem:s23+$0xFFFFFFC0] =	vst v2  }
0xf5: {  	[tilespmem:s23+$0xFFFFFFD0] =	vst v2  }
0xf6: {  	s31 =	simm.s32 $0x81;
	[tilespmem:s23+$0xFFFFFFE0] =	vst v2  }
0xf7: {  	v3 =	vmov s31;
	s24 =	simm.s32 $0x82;
	[tilespmem:s23+$0xFFFFFFF0] =	vst v2  }
.LBB2_13:
0xf8: {  	p1 =	sne.s32 s24, $0xFF;
	[tilespmem:s23+$0x0] =	vst v2  }
0xf9: {  	[tilespmem:s23+$0x10] =	vst v2  }
0xfa: {  	[tilespmem:s23+$0x20] =	vst v2  }
0xfb: {  	[tilespmem:s23+$0x30] =	vst v2  }
0xfc: {  	v2 =	vld.idx.msk [tilespmem:v3+s20+$0x0], $0xffff;
	_ =	sdelay $0x4  }
.Ltmp8:
0xfd: {  	s23 =	sadd.s32 $0x80, s23;
	(pc) =	sbr.rel @p1 .LBB2_13-.Ltmp8, $4  }
0xfe: {  	[tilespmem:s23+$0xFFFFFFC0] =	vst v2  }
0xff: {  	[tilespmem:s23+$0xFFFFFFD0] =	vst v2  }
0x100: {  	[tilespmem:s23+$0xFFFFFFE0] =	vst v2  }
0x101: {  	v3 =	vmov s24;
	s24 =	sadd.s32 $0x1, s24;
	[tilespmem:s23+$0xFFFFFFF0] =	vst v2  }
0x102: {  	[tilespmem:s23+$0x0] =	vst v2  }
0x103: {  	[tilespmem:s23+$0x10] =	vst v2  }
0x104: {  	[tilespmem:s23+$0x20] =	vst v2  }
0x105: {  	[tilespmem:s23+$0x30] =	vst v2  }
0x106: {  	v2 =	vld.idx.msk [tilespmem:v3+s20+$0x0], $0xffff;
	_ =	sdelay $0x3  }
0x107: {  	s30 =	sadd.s32 $0x80, s23  }
0x108: {  	[tilespmem:s30+$0xFFFFFFC0] =	vst v2  }
0x109: {  	[tilespmem:s30+$0xFFFFFFD0] =	vst v2  }
0x10a: {  	[tilespmem:s30+$0xFFFFFFE0] =	vst v2  }
0x10b: {  	[tilespmem:s30+$0xFFFFFFF0] =	vst v2  }
0x10c: {  	[tilespmem:s30+$0x0] =	vst v2  }
0x10d: {  	[tilespmem:s30+$0x10] =	vst v2  }
0x10e: {  	s24 =	simm.s32 $0x100;
	[tilespmem:s30+$0x20] =	vst v2  }
0x10f: {  	[tilespmem:s30+$0x30] =	vst v2;
	v2 =	vmov s24  }
0x110: {  	[hbm4b:s8+s2] =	stream.linear.scatter [tilespmem:s21], [sflag:$0x1], $0x4000, $0x38;
	[tilespmem:$0xE280] =	vst v63  }
0x111: {  	_ =	swait.ge [sflag:s13], $0x4000  }
0x112: {  	[sflag:s13] =	ssyncset.done $0x0  }
0x113: {  	[sflag:s13] =	ssyncadd.s32 $0xFFFFC000  }
0x114: {  	v2 =	vld.idx.msk [tilespmem:v2+s20+$0x0], $0xffff;
	_ =	sdelay $0x3  }
0x115: {  	s23 =	simm.s32 $0x7AC0  }
0x116: {  	[tilespmem:s23+$0xFFFFFFC0] =	vst v2  }
0x117: {  	[tilespmem:s23+$0xFFFFFFD0] =	vst v2  }
0x118: {  	s31 =	simm.s32 $0x101;
	[tilespmem:s23+$0xFFFFFFE0] =	vst v2  }
0x119: {  	v3 =	vmov s31;
	s24 =	simm.s32 $0x102;
	[tilespmem:s23+$0xFFFFFFF0] =	vst v2  }
.LBB2_15:
0x11a: {  	p1 =	sne.s32 s24, $0x17F;
	[tilespmem:s23+$0x0] =	vst v2  }
0x11b: {  	[tilespmem:s23+$0x10] =	vst v2  }
0x11c: {  	[tilespmem:s23+$0x20] =	vst v2  }
0x11d: {  	[tilespmem:s23+$0x30] =	vst v2  }
0x11e: {  	v2 =	vld.idx.msk [tilespmem:v3+s20+$0x0], $0xffff;
	_ =	sdelay $0x4  }
.Ltmp9:
0x11f: {  	s23 =	sadd.s32 $0x80, s23;
	(pc) =	sbr.rel @p1 .LBB2_15-.Ltmp9, $4  }
0x120: {  	[tilespmem:s23+$0xFFFFFFC0] =	vst v2  }
0x121: {  	[tilespmem:s23+$0xFFFFFFD0] =	vst v2  }
0x122: {  	[tilespmem:s23+$0xFFFFFFE0] =	vst v2  }
0x123: {  	v3 =	vmov s24;
	s24 =	sadd.s32 $0x1, s24;
	[tilespmem:s23+$0xFFFFFFF0] =	vst v2  }
0x124: {  	[tilespmem:s23+$0x0] =	vst v2  }
0x125: {  	[tilespmem:s23+$0x10] =	vst v2  }
0x126: {  	[tilespmem:s23+$0x20] =	vst v2  }
0x127: {  	[tilespmem:s23+$0x30] =	vst v2  }
0x128: {  	v2 =	vld.idx.msk [tilespmem:v3+s20+$0x0], $0xffff;
	_ =	sdelay $0x3  }
0x129: {  	s30 =	sadd.s32 $0x80, s23  }
0x12a: {  	[tilespmem:s30+$0xFFFFFFC0] =	vst v2  }
0x12b: {  	[tilespmem:s30+$0xFFFFFFD0] =	vst v2  }
0x12c: {  	[tilespmem:s30+$0xFFFFFFE0] =	vst v2  }
0x12d: {  	[tilespmem:s30+$0xFFFFFFF0] =	vst v2  }
0x12e: {  	[tilespmem:s30+$0x0] =	vst v2  }
0x12f: {  	[tilespmem:s30+$0x10] =	vst v2  }
0x130: {  	s24 =	simm.s32 $0x180;
	[tilespmem:s30+$0x20] =	vst v2  }
0x131: {  	[tilespmem:s30+$0x30] =	vst v2;
	v2 =	vmov s24  }
0x132: {  	[hbm4b:s9+s2] =	stream.linear.scatter [tilespmem:s21], [sflag:$0x1], $0x4000, $0x38;
	[tilespmem:$0xE280] =	vst v63  }
0x133: {  	_ =	swait.ge [sflag:s13], $0x4000  }
0x134: {  	[sflag:s13] =	ssyncset.done $0x0  }
0x135: {  	[sflag:s13] =	ssyncadd.s32 $0xFFFFC000  }
0x136: {  	v2 =	vld.idx.msk [tilespmem:v2+s20+$0x0], $0xffff;
	_ =	sdelay $0x3  }
0x137: {  	s23 =	simm.s32 $0x7AC0  }
0x138: {  	[tilespmem:s23+$0xFFFFFFC0] =	vst v2  }
0x139: {  	[tilespmem:s23+$0xFFFFFFD0] =	vst v2  }
0x13a: {  	s31 =	simm.s32 $0x181;
	[tilespmem:s23+$0xFFFFFFE0] =	vst v2  }
0x13b: {  	v3 =	vmov s31;
	s24 =	simm.s32 $0x182;
	[tilespmem:s23+$0xFFFFFFF0] =	vst v2  }
.LBB2_17:
0x13c: {  	p1 =	sne.s32 s24, $0x1FF;
	[tilespmem:s23+$0x0] =	vst v2  }
0x13d: {  	[tilespmem:s23+$0x10] =	vst v2  }
0x13e: {  	[tilespmem:s23+$0x20] =	vst v2  }
0x13f: {  	[tilespmem:s23+$0x30] =	vst v2  }
0x140: {  	v2 =	vld.idx.msk [tilespmem:v3+s20+$0x0], $0xffff;
	_ =	sdelay $0x4  }
.Ltmp10:
0x141: {  	s23 =	sadd.s32 $0x80, s23;
	(pc) =	sbr.rel @p1 .LBB2_17-.Ltmp10, $4  }
0x142: {  	[tilespmem:s23+$0xFFFFFFC0] =	vst v2  }
0x143: {  	[tilespmem:s23+$0xFFFFFFD0] =	vst v2  }
0x144: {  	[tilespmem:s23+$0xFFFFFFE0] =	vst v2  }
0x145: {  	v3 =	vmov s24;
	s24 =	sadd.s32 $0x1, s24;
	[tilespmem:s23+$0xFFFFFFF0] =	vst v2  }
0x146: {  	[tilespmem:s23+$0x0] =	vst v2  }
0x147: {  	[tilespmem:s23+$0x10] =	vst v2  }
0x148: {  	[tilespmem:s23+$0x20] =	vst v2  }
0x149: {  	[tilespmem:s23+$0x30] =	vst v2  }
0x14a: {  	v2 =	vld.idx.msk [tilespmem:v3+s20+$0x0], $0xffff;
	_ =	sdelay $0x3  }
0x14b: {  	s30 =	sadd.s32 $0x80, s23  }
0x14c: {  	[tilespmem:s30+$0xFFFFFFC0] =	vst v2  }
0x14d: {  	[tilespmem:s30+$0xFFFFFFD0] =	vst v2  }
0x14e: {  	[tilespmem:s30+$0xFFFFFFE0] =	vst v2  }
0x14f: {  	[tilespmem:s30+$0xFFFFFFF0] =	vst v2  }
0x150: {  	[tilespmem:s30+$0x0] =	vst v2  }
0x151: {  	[tilespmem:s30+$0x10] =	vst v2  }
0x152: {  	s24 =	simm.s32 $0x200;
	[tilespmem:s30+$0x20] =	vst v2  }
0x153: {  	[tilespmem:s30+$0x30] =	vst v2;
	v2 =	vmov s24  }
0x154: {  	[hbm4b:s10+s2] =	stream.linear.scatter [tilespmem:s21], [sflag:$0x1], $0x4000, $0x38;
	[tilespmem:$0xE280] =	vst v63  }
0x155: {  	_ =	swait.ge [sflag:s13], $0x4000  }
0x156: {  	[sflag:s13] =	ssyncset.done $0x0  }
0x157: {  	[sflag:s13] =	ssyncadd.s32 $0xFFFFC000  }
0x158: {  	v2 =	vld.idx.msk [tilespmem:v2+s20+$0x0], $0xffff;
	_ =	sdelay $0x3  }
0x159: {  	s23 =	simm.s32 $0x7AC0  }
0x15a: {  	[tilespmem:s23+$0xFFFFFFC0] =	vst v2  }
0x15b: {  	[tilespmem:s23+$0xFFFFFFD0] =	vst v2  }
0x15c: {  	s31 =	simm.s32 $0x201;
	[tilespmem:s23+$0xFFFFFFE0] =	vst v2  }
0x15d: {  	v3 =	vmov s31;
	s24 =	simm.s32 $0x202;
	[tilespmem:s23+$0xFFFFFFF0] =	vst v2  }
.LBB2_19:
0x15e: {  	p1 =	sne.s32 s24, $0x27F;
	[tilespmem:s23+$0x0] =	vst v2  }
0x15f: {  	[tilespmem:s23+$0x10] =	vst v2  }
0x160: {  	[tilespmem:s23+$0x20] =	vst v2  }
0x161: {  	[tilespmem:s23+$0x30] =	vst v2  }
0x162: {  	v2 =	vld.idx.msk [tilespmem:v3+s20+$0x0], $0xffff;
	_ =	sdelay $0x4  }
.Ltmp11:
0x163: {  	s23 =	sadd.s32 $0x80, s23;
	(pc) =	sbr.rel @p1 .LBB2_19-.Ltmp11, $4  }
0x164: {  	[tilespmem:s23+$0xFFFFFFC0] =	vst v2  }
0x165: {  	[tilespmem:s23+$0xFFFFFFD0] =	vst v2  }
0x166: {  	[tilespmem:s23+$0xFFFFFFE0] =	vst v2  }
0x167: {  	v3 =	vmov s24;
	s24 =	sadd.s32 $0x1, s24;
	[tilespmem:s23+$0xFFFFFFF0] =	vst v2  }
.Ltmp12:
0x168: {  	_ = 	snop;
	(pc) =	sbr.rel .LBB2_20-.Ltmp12, $1  }
0x169: {  	_ =	sdelay $0x3  }
.LBB2_22:
0x16a: {  	_ =	sfence.sel $0x180000  }
0x16b: {  	[bflag:$0x0] =	sbarrier.arrive $0xFFFF  }
0x16c: {  	p0 =	sne.s32 s1, $0x0;
	_ =	strace $0x90000047  }
0x16d: {  	s0 =	sadd.s32 @!p0 $0x100000, s0;
	[bflag:$0x2] =	sbarrier.arrive $0xFFFF  }
0x16e: {  	[sflag:s0] =	ssyncadd.tile.s32 @!p0 $0x1;
	_ =	shalt  }
.Lfunc_end2:
_tile_overlayer_lowered:
.L_overlay_start_2:
0x16f: {  	(tag) =	ssettag $0x2  }
0x170: {  	s0 =	rddreg [dreg:$0x0];
	s2 =	stileid.u32  }
0x171: {  	s1 =	rddreg [dreg:$0x1];
	p0 =	sne.s32 s2, $0x0  }
0x172: {  	s3 =	rddreg [dreg:$0x2];
	[bflag:$0x3] =	sbarrier.arrive $0xFFFF;
	s2 =	simm.s32 @!p0 $0x1C01  }
0x173: {  	[timem:s3], [sflag:s2] =	dma.local @!p0 [hbm:s0], s1  }
0x174: {  	s0 =	simm.s32 @!p0 $0x1  }
0x175: {  	_ =	swait.ge @!p0 [sflag:s0], s1  }
0x176: {  	s1 =	ssub.s32 @!p0 $0x0, s1;
	[sflag:s0] =	ssyncset.done @!p0 $0x0  }
0x177: {  	[sflag:s0] =	ssyncadd.s32 @!p0 s1  }
0x178: {  	[bflag:$0x3] =	sbarrier.arrive $0xFFFF  }
0x179: {  	_ =	shalt  }

// kernel: kernel.9.cloned.1.call-start
scs
__scs_entry_jumppad:
0x0: {  	(pc) =	sbr.rel $0x88, $3  }
0x1: {  	(tag) =	ssettag $0x0;
	lr =	simm.s32 $0x1  }
0x2: {  	[smem:$0x3F9C] =	sst lr;
	_ =	strace $0xD0000000  }
0x3: {  	_ = 	snop  }
0x4: {  	_ = 	snop  }
0x5: {  	_ = 	snop  }
0x6: {  	_ = 	snop  }
0x7: {  	_ = 	snop  }
__scs_overlays_trampoline_lowered:
0x8: {  	[smem:$0x3FAB] =	sst s0  }
0x9: {  	[smem:$0x3FAC] =	sst s1  }
0xa: {  	[smem:$0x3FAD] =	sst s2  }
0xb: {  	[smem:$0x3FAE] =	sst s3  }
0xc: {  	[smem:$0x3FAF] =	sst s4  }
0xd: {  	[smem:$0x3FB0] =	sst s5  }
0xe: {  	[smem:$0x3FB1] =	sst s6  }
0xf: {  	[smem:$0x3FB2] =	sst s7  }
0x10: {  	[smem:$0x3FB3] =	sst s8  }
0x11: {  	[smem:$0x3FB4] =	sst s9;
	s0 =	simm.s32 @!p0 $0x0  }
0x12: {  	s1 =	sld [smem:$0x3F9A];
	s0 =	simm.s32 @p0 $0x1  }
0x13: {  	[smem:$0x3FB5] =	sst s0;
	s0 =	simm.s32 @!p1 $0x0  }
0x14: {  	s2 =	sld [smem:$0x3F99];
	s0 =	simm.s32 @p1 $0x1  }
0x15: {  	[smem:$0x3FB6] =	sst s0;
	s0 =	simm.s32 @!p2 $0x0  }
0x16: {  	s3 =	sld [smem:$0x3FDB];
	s0 =	simm.s32 @p2 $0x1  }
0x17: {  	s4 =	simm.s32 $0x1BF5;
	[smem:$0x3FB8] =	sst s0  }
0x18: {  	s0 =	sld [smem:$0x3F9B];
	_ =	swait.ge [sflag:s4], $0x0  }
0x19: {  	s7 =	sld [smem:$0x3F9C]  }
0x1a: {  	s8 =	sadd.s32 $0xFFFFE003, lr  }
0x1b: {  	s9 =	sadd.s32 $0xFFFFFEF7, lr;
	s5 =	simm.s32 $0xFFFFFFFF;
	p2 =	slt.u32 s8, $0xFFFFF086  }
0x1c: {  	p1 =	slt.u32 s9, $0xF7A;
	s5 =	simm.s32 @!p2 $0x0  }
0x1d: {  	s5 =	simm.s32 @p1 $0x1;
	p0 =	seq.s32 s7, s2  }
0x1e: {  	s7 =	smul.u32 @!p0 $0xF7A, s2;
	p2 =	seq.s32 @!p0 s5, $0x0  }
0x1f: {  	s9 =	smul.u32 $0xF7A, s1;
	s8 =	simm.s32 @!p0 $0x1BF5;
	p2 =	por !p2, p0  }
0x20: {  	[sflag:s8] =	ssyncset.s32 @!p0 $0xFFFFF086;
	s6 =	sadd.s32 @!p0 s3, s7;
	s7 =	simm.s32 @!p0 $0x108  }
0x21: {  	s3 =	sadd.s32 s3, s9;
	s6 =	sadd.s32 @!p0 $0x88, s6;
	s7 =	simm.s32 @p2 $0x1082  }
0x22: {  	[simem:s7], [sflag:s8] =	dma.local @!p0 [hbm:s6], $0xF7A  }
0x23: {  	s9 =	sor.u32 $0xD0000000, s2;
	s6 =	simm.s32 $0x108;
	_ =	swait.ge @!p0 [sflag:s8], $0x0  }
0x24: {  	s3 =	sadd.s32 $0x88, s3;
	s6 =	simm.s32 @!p1 $0x1082;
	[sflag:s4] =	ssyncset.s32 $0xFFFFF086  }
0x25: {  	[simem:s6], [sflag:s4] =	dma.local [hbm:s3], $0xF7A  }
0x26: {  	[smem:$0x3F9C] =	sst s1;
	(tag) =	ssettag s2;
	_ =	strace s9  }
0x27: {  	s1 =	sld [smem:$0x3FAC]  }
0x28: {  	s2 =	sld [smem:$0x3FAD]  }
0x29: {  	s4 =	sld [smem:$0x3FAF]  }
0x2a: {  	p0 =	seq.s32 s5, $0x0;
	s5 =	sld [smem:$0x3FB0]  }
0x2b: {  	s6 =	sld [smem:$0x3FB1]  }
0x2c: {  	s7 =	sld [smem:$0x3FB2]  }
0x2d: {  	s3 =	simm.s32 $0x108;
	s8 =	sld [smem:$0x3FB3]  }
0x2e: {  	s3 =	simm.s32 @!p0 $0x1082;
	s9 =	sld [smem:$0x3FB4]  }
0x2f: {  	lr =	sadd.s32 s0, s3;
	s0 =	sld [smem:$0x3FAB]  }
0x30: {  	s3 =	sld [smem:$0x3FAE]  }
0x31: {  	[smem:$0x3FB7] =	sst s10  }
0x32: {  	s10 =	sld [smem:$0x3FB5];
	_ =	sdelay $0x3  }
0x33: {  	p0 =	seq.s32 s10, $0x1;
	s10 =	sld [smem:$0x3FB7];
	_ =	sdelay $0x3  }
0x34: {  	[smem:$0x3FB7] =	sst s10  }
0x35: {  	s10 =	sld [smem:$0x3FB6];
	_ =	sdelay $0x3  }
0x36: {  	p1 =	seq.s32 s10, $0x1;
	s10 =	sld [smem:$0x3FB7];
	_ =	sdelay $0x3  }
0x37: {  	[smem:$0x3FB7] =	sst s10  }
0x38: {  	s10 =	sld [smem:$0x3FB8]  }
0x39: {  	_ = 	snop;
	(pc) =	sbr.ind lr, $3  }
0x3a: {  	_ = 	snop  }
0x3b: {  	_ = 	snop  }
0x3c: {  	p2 =	seq.s32 s10, $0x1;
	s10 =	sld [smem:$0x3FB7]  }
0x3d: {  	_ =	shalt  }
0x3e: {  	_ =	shalt  }
0x3f: {  	_ =	shalt  }
0x40: {  	_ =	shalt  }
0x41: {  	_ =	shalt  }
0x42: {  	_ =	shalt  }
0x43: {  	_ =	shalt  }
0x44: {  	_ =	shalt  }
0x45: {  	_ =	shalt  }
0x46: {  	_ =	shalt  }
0x47: {  	_ =	shalt  }
0x48: {  	_ =	shalt  }
0x49: {  	_ =	shalt  }
0x4a: {  	_ =	shalt  }
0x4b: {  	_ =	shalt  }
0x4c: {  	_ =	shalt  }
0x4d: {  	_ =	shalt  }
0x4e: {  	_ =	shalt  }
0x4f: {  	_ =	shalt  }
0x50: {  	_ =	shalt  }
0x51: {  	_ =	shalt  }
0x52: {  	_ =	shalt  }
0x53: {  	_ =	shalt  }
0x54: {  	_ =	shalt  }
0x55: {  	_ =	shalt  }
0x56: {  	_ =	shalt  }
0x57: {  	_ =	shalt  }
0x58: {  	_ =	shalt  }
0x59: {  	_ =	shalt  }
0x5a: {  	_ =	shalt  }
0x5b: {  	_ =	shalt  }
0x5c: {  	_ =	shalt  }
0x5d: {  	_ =	shalt  }
0x5e: {  	_ =	shalt  }
0x5f: {  	_ =	shalt  }
0x60: {  	_ =	shalt  }
0x61: {  	_ =	shalt  }
0x62: {  	_ =	shalt  }
0x63: {  	_ =	shalt  }
0x64: {  	_ =	shalt  }
0x65: {  	_ =	shalt  }
0x66: {  	_ =	shalt  }
0x67: {  	_ =	shalt  }
0x68: {  	_ =	shalt  }
0x69: {  	_ =	shalt  }
0x6a: {  	_ =	shalt  }
0x6b: {  	_ =	shalt  }
0x6c: {  	_ =	shalt  }
0x6d: {  	_ =	shalt  }
0x6e: {  	_ =	shalt  }
0x6f: {  	_ =	shalt  }
0x70: {  	_ =	shalt  }
0x71: {  	_ =	shalt  }
0x72: {  	_ =	shalt  }
0x73: {  	_ =	shalt  }
0x74: {  	_ =	shalt  }
0x75: {  	_ =	shalt  }
0x76: {  	_ =	shalt  }
0x77: {  	_ =	shalt  }
0x78: {  	_ =	shalt  }
0x79: {  	_ =	shalt  }
0x7a: {  	_ =	shalt  }
0x7b: {  	_ =	shalt  }
0x7c: {  	_ =	shalt  }
0x7d: {  	_ =	shalt  }
0x7e: {  	_ =	shalt  }
0x7f: {  	_ =	shalt  }
0x80: {  	_ =	shalt  }
0x81: {  	_ =	shalt  }
0x82: {  	_ =	shalt  }
0x83: {  	_ =	shalt  }
0x84: {  	_ =	shalt  }
0x85: {  	_ =	shalt  }
0x86: {  	_ =	shalt  }
0x87: {  	_ =	shalt  }
.Lfunc_end0:
.L_simem_size_0:
called_computation.1_lowered:
.L_overlay_start_0:
0x88: {  	s2 =	sld [smem:$0x3FD9]  }
0x89: {  	s3 =	sld [smem:$0x3FFE];
	_ =	sdelay $0x1  }
0x8a: {  	s1 =	srdreg.scid  }
0x8b: {  	s0 =	sand.u32 $0x1, s1  }
0x8c: {  	s17 =	sshll.u32 s0, $0xA;
	s2 =	sadd.s32 s3, s2  }
0x8d: {  	s2 =	sadd.s32 s2, s17  }
0x8e: {  	[smem:$0x3FC3] =	sst s2  }
0x8f: {  	_ = 	snop  }
0x90: {  	s2 =	sld [smem:$0x3FD0];
	(tm) =	ssettm $0x1  }
0x91: {  	s18 =	sld [smem:$0x3FFB];
	_ =	sdelay $0x3  }
0x92: {  	_ =	strace s18  }
0x93: {  	s3 =	sld [smem:$0x3FFC];
	_ =	sdelay $0x3  }
0x94: {  	_ =	strace s3  }
0x95: {  	s3 =	sld [smem:$0x3FFD];
	_ =	sdelay $0x3  }
0x96: {  	_ =	strace s3  }
0x97: {  	_ =	strace $0x8FFFFFFF  }
0x98: {  	s19 =	sld [smem:$0x3FDB];
	_ =	sdelay $0x1  }
0x99: {  	s4 =	simm.s32 $_scs_section_size  }
0x9a: {  	s5 =	simm.s32 $_size__tile_overlayer_lowered;
	s6 =	simm.s32 $_tile_overlayer_lowered  }
0x9b: {  	s22 =	simm.s32 $0x1BFF;
	s21 =	sshll.u32 s6, $0x1;
	s3 =	sadd.s32 s4, s19  }
0x9c: {  	s7 =	simm.s32 $0x0;
	s20 =	sshll.u32 s5, $0x1;
	s5 =	sadd.s32 s21, s3  }
0x9d: {  	[timem:s7], [sflag:s22] =	dma.local [hbm:s5], s20  }
0x9e: {  	_ =	swait.ge [sflag:s22], s20  }
0x9f: {  	s4 =	ssub.s32 $0x0, s20;
	[sflag:s22] =	ssyncset.done $0x0  }
0xa0: {  	[sflag:s22] =	ssyncadd.s32 s4;
	_ =	sdelay $0x1  }
0xa1: {  	s23 =	simm.s32 $0x1B8B  }
0xa2: {  	_ =	swait.ge [sflag:s23], $0x1  }
0xa3: {  	[sflag:s23] =	ssyncset.done $0x0  }
0xa4: {  	s25 =	simm.s32 $0x1B8E;
	s24 =	sld [smem:$0x3FFE];
	[sflag:s23] =	ssyncadd.s32 $0xFFFFFFFF  }
0xa5: {  	s26 =	simm.s32 $execute0_lowered;
	[smem:$0x3FD2] =	sst s25  }
0xa6: {  	s5 =	sshll.u32 s26, $0x1;
	_ =	strace $0x80000049;
	[dreg:$0x1] =	wrdreg $0xFFFFFFFF  }
0xa7: {  	s28 =	simm.s32 $_size_execute0_lowered;
	s3 =	sadd.s32 s3, s5;
	[dreg:$0x0] =	wrdreg $0x0  }
0xa8: {  	s5 =	sshll.u32 s28, $0x1;
	[dreg:$0x2] =	wrdreg s3  }
0xa9: {  	[dreg:$0x3] =	wrdreg s5  }
0xaa: {  	[dreg:$0x4] =	wrdreg $0xC0  }
0xab: {  	_ =	task [dreg:s7], $0x5FFFF  }
0xac: {  	[dreg:$0x1] =	wrdreg $0xFFFFFFFF  }
0xad: {  	[dreg:$0x0] =	wrdreg $0x60  }
0xae: {  	[dreg:$0x2] =	wrdreg s2  }
0xaf: {  	[dreg:$0x3] =	wrdreg s24  }
0xb0: {  	[dreg:$0x4] =	wrdreg $0xA8000  }
0xb1: {  	[dreg:$0x5] =	wrdreg $0x9  }
0xb2: {  	_ =	task.clear_ibuf [dreg:s7], $0x6FFFF;
	_ =	strace $0x90000049  }
0xb3: {  	s29 =	simm.s32 $0x9;
	_ =	strace $0x8000004B  }
0xb4: {  	_ =	swait.ge [sflag:s29], $0x1  }
0xb5: {  	[sflag:s29] =	ssyncadd.s32 $0xFFFFFFFF  }
0xb6: {  	_ =	strace $0x9000004B  }
0xb7: {  	_ =	sfence  }
0xb8: {  	s30 =	sld [smem:$0x0];
	_ =	sdelay $0x2  }
0xb9: {  	s31 =	sshll.u32 s1, $0xD;
	s1 =	sshrl.u32 s1, $0x2  }
0xba: {  	s3 =	sand.u32 $0x4000, s31;
	s1 =	sadd.s32 s1, s30  }
0xbb: {  	s0 =	sor.u32 s3, s0;
	s1 =	sshll.u32 s1, $0x11  }
0xbc: {  	s0 =	sor.u32 s1, s0  }
0xbd: {  	s0 =	sadd.s32 $0x8F2B, s0  }
0xbe: {  	[sflag:s0] =	ssyncadd.remote.s32 $0x1  }
0xbf: {  	_ =	sfence.sel $0xFFFF  }
0xc0: {  	[dreg:$0x0] =	wrdreg $0xFFFFFFFF;
	(pc) =	sbr.abs _section_cstart, $3  }
0xc1: {  	[dreg:$0x1] =	wrdreg $0xFFFFFFFF  }
0xc2: {  	_ =	task.clear_ibuf [dreg:s7], $0x2FFFF;
	_ =	strace $0x9FFFFFFF  }
0xc3: {  	(tm) =	ssettm $0x7FFFFFFF  }
tec
execute0_lowered:
.L_overlay_start_1:
0x0: {  	(tag) =	ssettag $0x1  }
0x1: {  	s12 =	rddreg [dreg:$0x0]  }
0x2: {  	s5 =	rddreg [dreg:$0x1]  }
0x3: {  	s1 =	rddreg [dreg:$0x2];
	s2 =	srdreg.scid  }
0x4: {  	s3 =	simm.s32 $0x0;
	s0 =	stileid.u32;
	s17 =	simm.s32 $0x5  }
0x5: {  	s18 =	simm.s32 $0x1400;
	s19 =	simm.s32 $0x80;
	s20 =	simm.s32 $0x1  }
0x6: {  	s21 =	simm.s32 $0x6800;
	s22 =	simm.s32 $0x2;
	s23 =	simm.s32 $0x3  }
0x7: {  	s24 =	simm.s32 $0x4;
	s25 =	simm.s32 $0x2700;
	s26 =	simm.s32 $0x1380  }
0x8: {  	s28 =	simm.s32 $0x2780;
	s6 =	sand.u32 $0x1, s2;
	s8 =	smul.u32 $0x14000, s0  }
0x9: {  	[smem:$0x7FF] =	sst s3;
	s13 =	sadd.s32 $0x1C00, s5;
	s9 =	smul.u32 $0x50000, s0  }
0xa: {  	s4 =	sadd.s32 $0xBC00, s5;
	s30 =	sshll.u32 s0, $0x1;
	s7 =	smul.u32 $0x140000, s6  }
0xb: {  	_ =	strace $0x8000004A;
	s10 =	ssub.s32 $0x2, s6;
	s6 =	sor.u32 s6, s30  }
0xc: {  	s31 =	sshrl.u32 s10, $0x1;
	s11 =	smul.u32 $0x2800, s6;
	s7 =	sadd.s32 s8, s7  }
0xd: {  	s9 =	sshrl.u32 s9, $0x2;
	s15 =	ssub.s32 s10, s31;
	s7 =	sshrl.u32 s7, $0x3  }
0xe: {  	s11 =	sshrl.u32 s11, $0x3;
	s15 =	smax.u32 s15, $0x1;
	s14 =	sadd.s32 s7, s5  }
0xf: {  	s5 =	sadd.s32 s9, s1;
	s16 =	sadd.s32 $0x280, s11;
	s10 =	sadd.s32 s12, s11  }
0x10: {  	s11 =	sadd.s32 s13, s11;
	s6 =	sadd.s32 $0x4000, s5;
	s7 =	sadd.s32 $0x8000, s5  }
0x11: {  	s8 =	sadd.s32 $0xC000, s5;
	s9 =	sadd.s32 $0x10000, s5;
	s12 =	sadd.s32 s12, s16  }
0x12: {  	v0 =	vimm.f32 $0.0e+00;
	s13 =	sadd.s32 s13, s16;
	s14 =	sadd.s32 $0x33C00, s14;
	s16 =	simm.s32 $0x2800  }
.LBB2_1:
0x13: {  	s29 =	simm.s32 $0x0;
	s30 =	simm.s32 $0x200  }
.LBB2_2:
0x14: {  	p0 =	sne.s32 s30, $0xFE00;
	[tilespmem:s29+$0x2870] =	vst v0  }
0x15: {  	[tilespmem:s29+$0x2800] =	vst v0  }
0x16: {  	[tilespmem:s29+$0x2810] =	vst v0  }
.Ltmp0:
0x17: {  	[tilespmem:s29+$0x2820] =	vst v0;
	(pc) =	sbr.rel @p0 .LBB2_2-.Ltmp0, $4  }
0x18: {  	[tilespmem:s29+$0x2830] =	vst v0  }
0x19: {  	[tilespmem:s29+$0x2840] =	vst v0  }
0x1a: {  	[tilespmem:s29+$0x2850] =	vst v0  }
0x1b: {  	[tilespmem:s29+$0x2860] =	vst v0;
	s29 =	sshra.s32 s30, $0x2;
	s30 =	sadd.s32 $0x200, s30  }
0x1c: {  	[tilespmem:s29+$0x2870] =	vst v0  }
0x1d: {  	[tilespmem:s29+$0x2800] =	vst v0  }
0x1e: {  	[tilespmem:s29+$0x2810] =	vst v0  }
0x1f: {  	[tilespmem:s29+$0x2820] =	vst v0  }
0x20: {  	[tilespmem:s29+$0x2830] =	vst v0  }
0x21: {  	[tilespmem:s29+$0x2840] =	vst v0  }
0x22: {  	[tilespmem:s29+$0x2850] =	vst v0  }
0x23: {  	[tilespmem:s29+$0x2860] =	vst v0  }
0x24: {  	[spmem:s5] =	stream.linear.scatter [tilespmem:s16], [sflag:$0x5], $0x4000, $0x38;
	[tilespmem:$0x1E800] =	vst v63  }
0x25: {  	_ =	swait.ge [sflag:s17], $0x4000  }
0x26: {  	[sflag:s17] =	ssyncset.done $0x0  }
0x27: {  	[sflag:s17] =	ssyncadd.s32 $0xFFFFC000  }
0x28: {  	[spmem:s6] =	stream.linear.scatter [tilespmem:s16], [sflag:$0x5], $0x4000, $0x38;
	[tilespmem:$0x1E800] =	vst v63  }
0x29: {  	_ =	swait.ge [sflag:s17], $0x4000  }
0x2a: {  	[sflag:s17] =	ssyncset.done $0x0  }
0x2b: {  	[sflag:s17] =	ssyncadd.s32 $0xFFFFC000  }
0x2c: {  	[spmem:s7] =	stream.linear.scatter [tilespmem:s16], [sflag:$0x5], $0x4000, $0x38;
	[tilespmem:$0x1E800] =	vst v63  }
0x2d: {  	_ =	swait.ge [sflag:s17], $0x4000  }
0x2e: {  	[sflag:s17] =	ssyncset.done $0x0  }
0x2f: {  	[sflag:s17] =	ssyncadd.s32 $0xFFFFC000  }
0x30: {  	[spmem:s8] =	stream.linear.scatter [tilespmem:s16], [sflag:$0x5], $0x4000, $0x38;
	[tilespmem:$0x1E800] =	vst v63  }
0x31: {  	_ =	swait.ge [sflag:s17], $0x4000  }
0x32: {  	[sflag:s17] =	ssyncset.done $0x0  }
0x33: {  	[sflag:s17] =	ssyncadd.s32 $0xFFFFC000  }
0x34: {  	[spmem:s9] =	stream.linear.scatter [tilespmem:s16], [sflag:$0x5], $0x4000, $0x38;
	[tilespmem:$0x1E800] =	vst v63  }
0x35: {  	_ =	swait.ge [sflag:s17], $0x4000  }
0x36: {  	[sflag:s17] =	ssyncset.done $0x0  }
0x37: {  	[sflag:s17] =	ssyncadd.s32 $0xFFFFC000  }
0x38: {  	s29 =	simm.s32 $0x0;
	[bflag:$0x0] =	sbarrier.arrive $0xFFFF  }
0x39: {  	[tilespmem:s29], [sflag:$0x5] =	stream.linear.gather [hbm4b:s10+s29], $0x1400, $0x38;
	[tilespmem:$0x1E800] =	vst v63  }
0x3a: {  	_ =	swait.ge [sflag:s17], $0x1400  }
0x3b: {  	[sflag:s17] =	ssyncset.done $0x0  }
0x3c: {  	[sflag:s17] =	ssyncadd.s32 $0xFFFFEC00  }
0x3d: {  	[tilespmem:s18], [sflag:$0x5] =	stream.linear.gather [hbm4b:s11+s29], $0x1400, $0x38;
	[tilespmem:$0x1E800] =	vst v63  }
0x3e: {  	_ =	swait.ge [sflag:s17], $0x1400  }
0x3f: {  	[sflag:s17] =	ssyncset.done $0x0  }
0x40: {  	[sflag:s17] =	ssyncadd.s32 $0xFFFFEC00  }
0x41: {  	[tilespmem:s16], [sflag:$0x1] =	stream.indirect.gather [hbm4b:s4+s19], $0x80, s29, s19, $0xb8;
	[tilespmem:$0x1E800] =	vst v63  }
0x42: {  	_ =	swait.ge [sflag:s20], $0x4000  }
0x43: {  	[sflag:s20] =	ssyncset.done $0x0  }
0x44: {  	s29 =	simm.s32 $0x1400;
	[sflag:s20] =	ssyncadd.s32 $0xFFFFC000  }
0x45: {  	[spmem:s1] =	stream.indirect.scatter.add.f32 [tilespmem:s16], [sflag:$0x3], $0x80, s29, s19, $0xb8;
	[tilespmem:$0x1E800] =	vst v63  }
0x46: {  	s29 =	simm.s32 $0x80  }
0x47: {  	[tilespmem:s21], [sflag:$0x2] =	stream.indirect.gather [hbm4b:s4+s19], $0x80, s29, s19, $0xb8;
	[tilespmem:$0x1E800] =	vst v63  }
0x48: {  	_ =	swait.ge [sflag:s22], $0x4000  }
0x49: {  	[sflag:s22] =	ssyncset.done $0x0  }
0x4a: {  	[sflag:s22] =	ssyncadd.s32 $0xFFFFC000  }
0x4b: {  	_ =	swait.ge [sflag:s23], $0x4000  }
0x4c: {  	[sflag:s23] =	ssyncset.done $0x0  }
0x4d: {  	s29 =	simm.s32 $0x1480;
	[sflag:s23] =	ssyncadd.s32 $0xFFFFC000  }
0x4e: {  	[spmem:s1] =	stream.indirect.scatter.add.f32 [tilespmem:s21], [sflag:$0x4], $0x80, s29, s19, $0xb8;
	[tilespmem:$0x1E800] =	vst v63  }
0x4f: {  	s29 =	simm.s32 $0x100  }
0x50: {  	[tilespmem:s16], [sflag:$0x1] =	stream.indirect.gather [hbm4b:s4+s19], $0x80, s29, s19, $0xb8;
	[tilespmem:$0x1E800] =	vst v63  }
0x51: {  	_ =	swait.ge [sflag:s20], $0x4000  }
0x52: {  	[sflag:s20] =	ssyncset.done $0x0  }
0x53: {  	[sflag:s20] =	ssyncadd.s32 $0xFFFFC000  }
0x54: {  	_ =	swait.ge [sflag:s24], $0x4000  }
0x55: {  	s30 =	simm.s32 $0x800;
	s29 =	simm.s32 $0x100;
	[sflag:s24] =	ssyncset.done $0x0  }
.LBB2_4:
0x56: {  	s31 =	sadd.s32 $0x1400, s29  }
0x57: {  	[sflag:s24] =	ssyncadd.s32 $0xFFFFC000;
	s0 =	smov.u32 s30;
	s2 =	sadd.s32 $0x400, s30  }
0x58: {  	[spmem:s1] =	stream.indirect.scatter.add.f32 [tilespmem:s16], [sflag:$0x3], $0x80, s31, s19, $0xb8;
	[tilespmem:$0x1E800] =	vst v63  }
0x59: {  	p0 =	sne.s32 s30, $0x4800;
	s30 =	sadd.s32 $0x80, s29  }
0x5a: {  	[tilespmem:s21], [sflag:$0x2] =	stream.indirect.gather [hbm4b:s4+s19], $0x80, s30, s19, $0xb8;
	[tilespmem:$0x1E800] =	vst v63  }
0x5b: {  	_ =	swait.ge [sflag:s22], $0x4000  }
0x5c: {  	[sflag:s22] =	ssyncset.done $0x0  }
0x5d: {  	[sflag:s22] =	ssyncadd.s32 $0xFFFFC000  }
0x5e: {  	_ =	swait.ge [sflag:s23], $0x4000  }
0x5f: {  	[sflag:s23] =	ssyncset.done $0x0  }
0x60: {  	s30 =	sadd.s32 $0x1480, s29;
	[sflag:s23] =	ssyncadd.s32 $0xFFFFC000  }
0x61: {  	[spmem:s1] =	stream.indirect.scatter.add.f32 [tilespmem:s21], [sflag:$0x4], $0x80, s30, s19, $0xb8;
	[tilespmem:$0x1E800] =	vst v63  }
0x62: {  	s29 =	sadd.s32 $0x100, s29  }
0x63: {  	[tilespmem:s16], [sflag:$0x1] =	stream.indirect.gather [hbm4b:s4+s19], $0x80, s29, s19, $0xb8;
	[tilespmem:$0x1E800] =	vst v63  }
.Ltmp1:
0x64: {  	_ =	swait.ge [sflag:s20], $0x4000;
	(pc) =	sbr.rel @p0 .LBB2_4-.Ltmp1, $4  }
0x65: {  	[sflag:s20] =	ssyncset.done $0x0  }
0x66: {  	[sflag:s20] =	ssyncadd.s32 $0xFFFFC000  }
0x67: {  	_ =	swait.ge [sflag:s24], $0x4000  }
0x68: {  	s30 =	smov.u32 s2;
	s29 =	sshra.s32 s0, $0x2;
	[sflag:s24] =	ssyncset.done $0x0  }
0x69: {  	s0 =	sadd.s32 $0x1400, s29;
	[sflag:s24] =	ssyncadd.s32 $0xFFFFC000  }
0x6a: {  	[spmem:s1] =	stream.indirect.scatter.add.f32 [tilespmem:s16], [sflag:$0x3], $0x80, s0, s19, $0xb8;
	[tilespmem:$0x1E800] =	vst v63  }
0x6b: {  	s2 =	sadd.s32 $0x80, s29  }
0x6c: {  	[tilespmem:s21], [sflag:$0x2] =	stream.indirect.gather [hbm4b:s4+s19], $0x80, s2, s19, $0xb8;
	[tilespmem:$0x1E800] =	vst v63  }
0x6d: {  	_ =	swait.ge [sflag:s22], $0x4000  }
0x6e: {  	[sflag:s22] =	ssyncset.done $0x0  }
0x6f: {  	[sflag:s22] =	ssyncadd.s32 $0xFFFFC000  }
0x70: {  	_ =	swait.ge [sflag:s23], $0x4000  }
0x71: {  	[sflag:s23] =	ssyncset.done $0x0  }
0x72: {  	s31 =	sadd.s32 $0x1480, s29;
	[sflag:s23] =	ssyncadd.s32 $0xFFFFC000  }
0x73: {  	[spmem:s1] =	stream.indirect.scatter.add.f32 [tilespmem:s21], [sflag:$0x4], $0x80, s31, s19, $0xb8;
	[tilespmem:$0x1E800] =	vst v63  }
0x74: {  	s2 =	sadd.s32 $0x100, s29  }
0x75: {  	[tilespmem:s16], [sflag:$0x1] =	stream.indirect.gather [hbm4b:s4+s19], $0x80, s2, s19, $0xb8;
	[tilespmem:$0x1E800] =	vst v63  }
0x76: {  	_ =	swait.ge [sflag:s20], $0x4000  }
0x77: {  	[sflag:s20] =	ssyncset.done $0x0  }
0x78: {  	[sflag:s20] =	ssyncadd.s32 $0xFFFFC000  }
0x79: {  	_ =	swait.ge [sflag:s24], $0x4000  }
0x7a: {  	[sflag:s24] =	ssyncset.done $0x0  }
0x7b: {  	[sflag:s24] =	ssyncadd.s32 $0xFFFFC000  }
0x7c: {  	[spmem:s1] =	stream.indirect.scatter.add.f32 [tilespmem:s16], [sflag:$0x3], $0x80, s25, s19, $0xb8;
	[tilespmem:$0x1E800] =	vst v63  }
0x7d: {  	_ = 	snop  }
0x7e: {  	[tilespmem:s21], [sflag:$0x2] =	stream.indirect.gather [hbm4b:s4+s19], $0x80, s26, s19, $0xb8;
	[tilespmem:$0x1E800] =	vst v63  }
0x7f: {  	_ =	swait.ge [sflag:s22], $0x4000  }
0x80: {  	[sflag:s22] =	ssyncset.done $0x0  }
0x81: {  	[sflag:s22] =	ssyncadd.s32 $0xFFFFC000  }
0x82: {  	_ =	swait.ge [sflag:s23], $0x4000  }
0x83: {  	[sflag:s23] =	ssyncset.done $0x0  }
0x84: {  	[sflag:s23] =	ssyncadd.s32 $0xFFFFC000  }
0x85: {  	[spmem:s1] =	stream.indirect.scatter.add.f32 [tilespmem:s21], [sflag:$0x4], $0x80, s28, s19, $0xb8;
	[tilespmem:$0x1E800] =	vst v63  }
0x86: {  	_ =	swait.ge [sflag:s24], $0x4000  }
0x87: {  	[sflag:s24] =	ssyncset.done $0x0  }
0x88: {  	s31 =	simm.s32 $0x0;
	[sflag:s24] =	ssyncadd.s32 $0xFFFFC000  }
0x89: {  	[tilespmem:s31], [sflag:$0x5] =	stream.linear.gather [hbm4b:s12+s31], $0x1400, $0x38;
	[tilespmem:$0x1E800] =	vst v63  }
0x8a: {  	_ =	swait.ge [sflag:s17], $0x1400  }
0x8b: {  	[sflag:s17] =	ssyncset.done $0x0  }
0x8c: {  	[sflag:s17] =	ssyncadd.s32 $0xFFFFEC00  }
0x8d: {  	[tilespmem:s18], [sflag:$0x5] =	stream.linear.gather [hbm4b:s13+s31], $0x1400, $0x38;
	[tilespmem:$0x1E800] =	vst v63  }
0x8e: {  	_ =	swait.ge [sflag:s17], $0x1400  }
0x8f: {  	[sflag:s17] =	ssyncset.done $0x0  }
0x90: {  	[sflag:s17] =	ssyncadd.s32 $0xFFFFEC00  }
0x91: {  	[tilespmem:s16], [sflag:$0x1] =	stream.indirect.gather [hbm4b:s4+s19], $0x80, s31, s19, $0xb8;
	[tilespmem:$0x1E800] =	vst v63  }
0x92: {  	_ =	swait.ge [sflag:s20], $0x4000  }
0x93: {  	[sflag:s20] =	ssyncset.done $0x0  }
0x94: {  	s2 =	simm.s32 $0x1400;
	[sflag:s20] =	ssyncadd.s32 $0xFFFFC000  }
0x95: {  	[spmem:s1] =	stream.indirect.scatter.add.f32 [tilespmem:s16], [sflag:$0x3], $0x80, s2, s19, $0xb8;
	[tilespmem:$0x1E800] =	vst v63  }
0x96: {  	s31 =	simm.s32 $0x80  }
0x97: {  	[tilespmem:s21], [sflag:$0x2] =	stream.indirect.gather [hbm4b:s4+s19], $0x80, s31, s19, $0xb8;
	[tilespmem:$0x1E800] =	vst v63  }
0x98: {  	_ =	swait.ge [sflag:s22], $0x4000  }
0x99: {  	[sflag:s22] =	ssyncset.done $0x0  }
0x9a: {  	[sflag:s22] =	ssyncadd.s32 $0xFFFFC000  }
0x9b: {  	_ =	swait.ge [sflag:s23], $0x4000  }
0x9c: {  	[sflag:s23] =	ssyncset.done $0x0  }
0x9d: {  	s2 =	simm.s32 $0x1480;
	[sflag:s23] =	ssyncadd.s32 $0xFFFFC000  }
0x9e: {  	[spmem:s1] =	stream.indirect.scatter.add.f32 [tilespmem:s21], [sflag:$0x4], $0x80, s2, s19, $0xb8;
	[tilespmem:$0x1E800] =	vst v63  }
0x9f: {  	s31 =	simm.s32 $0x100  }
0xa0: {  	[tilespmem:s16], [sflag:$0x1] =	stream.indirect.gather [hbm4b:s4+s19], $0x80, s31, s19, $0xb8;
	[tilespmem:$0x1E800] =	vst v63  }
0xa1: {  	_ =	swait.ge [sflag:s20], $0x4000  }
0xa2: {  	[sflag:s20] =	ssyncset.done $0x0  }
0xa3: {  	[sflag:s20] =	ssyncadd.s32 $0xFFFFC000  }
0xa4: {  	_ =	swait.ge [sflag:s24], $0x4000  }
0xa5: {  	s30 =	simm.s32 $0x800;
	s29 =	simm.s32 $0x100;
	[sflag:s24] =	ssyncset.done $0x0  }
.LBB2_6:
0xa6: {  	s0 =	sadd.s32 $0x1400, s29  }
0xa7: {  	[sflag:s24] =	ssyncadd.s32 $0xFFFFC000;
	s2 =	smov.u32 s30;
	s31 =	sadd.s32 $0x400, s30  }
0xa8: {  	[spmem:s1] =	stream.indirect.scatter.add.f32 [tilespmem:s16], [sflag:$0x3], $0x80, s0, s19, $0xb8;
	[tilespmem:$0x1E800] =	vst v63  }
0xa9: {  	p0 =	sne.s32 s30, $0x4800;
	s0 =	sadd.s32 $0x80, s29  }
0xaa: {  	[tilespmem:s21], [sflag:$0x2] =	stream.indirect.gather [hbm4b:s4+s19], $0x80, s0, s19, $0xb8;
	[tilespmem:$0x1E800] =	vst v63  }
0xab: {  	_ =	swait.ge [sflag:s22], $0x4000  }
0xac: {  	[sflag:s22] =	ssyncset.done $0x0  }
0xad: {  	[sflag:s22] =	ssyncadd.s32 $0xFFFFC000  }
0xae: {  	_ =	swait.ge [sflag:s23], $0x4000  }
0xaf: {  	[sflag:s23] =	ssyncset.done $0x0  }
0xb0: {  	s0 =	sadd.s32 $0x1480, s29;
	[sflag:s23] =	ssyncadd.s32 $0xFFFFC000  }
0xb1: {  	[spmem:s1] =	stream.indirect.scatter.add.f32 [tilespmem:s21], [sflag:$0x4], $0x80, s0, s19, $0xb8;
	[tilespmem:$0x1E800] =	vst v63  }
0xb2: {  	s0 =	sadd.s32 $0x100, s29  }
0xb3: {  	[tilespmem:s16], [sflag:$0x1] =	stream.indirect.gather [hbm4b:s4+s19], $0x80, s0, s19, $0xb8;
	[tilespmem:$0x1E800] =	vst v63  }
.Ltmp2:
0xb4: {  	_ =	swait.ge [sflag:s20], $0x4000;
	(pc) =	sbr.rel @p0 .LBB2_6-.Ltmp2, $4  }
0xb5: {  	[sflag:s20] =	ssyncset.done $0x0  }
0xb6: {  	[sflag:s20] =	ssyncadd.s32 $0xFFFFC000  }
0xb7: {  	_ =	swait.ge [sflag:s24], $0x4000  }
0xb8: {  	s30 =	smov.u32 s31;
	s29 =	sshra.s32 s2, $0x2;
	[sflag:s24] =	ssyncset.done $0x0  }
0xb9: {  	s0 =	sadd.s32 $0x1400, s29;
	[sflag:s24] =	ssyncadd.s32 $0xFFFFC000  }
0xba: {  	[spmem:s1] =	stream.indirect.scatter.add.f32 [tilespmem:s16], [sflag:$0x3], $0x80, s0, s19, $0xb8;
	[tilespmem:$0x1E800] =	vst v63  }
0xbb: {  	s31 =	sadd.s32 $0x80, s29  }
0xbc: {  	[tilespmem:s21], [sflag:$0x2] =	stream.indirect.gather [hbm4b:s4+s19], $0x80, s31, s19, $0xb8;
	[tilespmem:$0x1E800] =	vst v63  }
0xbd: {  	_ =	swait.ge [sflag:s22], $0x4000  }
0xbe: {  	[sflag:s22] =	ssyncset.done $0x0  }
0xbf: {  	[sflag:s22] =	ssyncadd.s32 $0xFFFFC000  }
0xc0: {  	_ =	swait.ge [sflag:s23], $0x4000  }
0xc1: {  	[sflag:s23] =	ssyncset.done $0x0  }
0xc2: {  	s2 =	sadd.s32 $0x1480, s29;
	[sflag:s23] =	ssyncadd.s32 $0xFFFFC000  }
0xc3: {  	[spmem:s1] =	stream.indirect.scatter.add.f32 [tilespmem:s21], [sflag:$0x4], $0x80, s2, s19, $0xb8;
	[tilespmem:$0x1E800] =	vst v63  }
0xc4: {  	s30 =	sadd.s32 $0x100, s29  }
0xc5: {  	[tilespmem:s16], [sflag:$0x1] =	stream.indirect.gather [hbm4b:s4+s19], $0x80, s30, s19, $0xb8;
	[tilespmem:$0x1E800] =	vst v63  }
0xc6: {  	_ =	swait.ge [sflag:s20], $0x4000  }
0xc7: {  	[sflag:s20] =	ssyncset.done $0x0  }
0xc8: {  	[sflag:s20] =	ssyncadd.s32 $0xFFFFC000  }
0xc9: {  	_ =	swait.ge [sflag:s24], $0x4000  }
0xca: {  	[sflag:s24] =	ssyncset.done $0x0  }
0xcb: {  	[sflag:s24] =	ssyncadd.s32 $0xFFFFC000  }
0xcc: {  	[spmem:s1] =	stream.indirect.scatter.add.f32 [tilespmem:s16], [sflag:$0x3], $0x80, s25, s19, $0xb8;
	[tilespmem:$0x1E800] =	vst v63  }
0xcd: {  	_ = 	snop  }
0xce: {  	[tilespmem:s21], [sflag:$0x2] =	stream.indirect.gather [hbm4b:s4+s19], $0x80, s26, s19, $0xb8;
	[tilespmem:$0x1E800] =	vst v63  }
0xcf: {  	_ =	swait.ge [sflag:s22], $0x4000  }
0xd0: {  	[sflag:s22] =	ssyncset.done $0x0  }
0xd1: {  	[sflag:s22] =	ssyncadd.s32 $0xFFFFC000  }
0xd2: {  	_ =	swait.ge [sflag:s23], $0x4000  }
0xd3: {  	[sflag:s23] =	ssyncset.done $0x0  }
0xd4: {  	[sflag:s23] =	ssyncadd.s32 $0xFFFFC000  }
0xd5: {  	[spmem:s1] =	stream.indirect.scatter.add.f32 [tilespmem:s21], [sflag:$0x4], $0x80, s28, s19, $0xb8;
	[tilespmem:$0x1E800] =	vst v63  }
0xd6: {  	s31 =	stileid.u32;
	_ =	swait.ge [sflag:s24], $0x4000  }
0xd7: {  	s3 =	sadd.s32 $0x1, s3;
	s0 =	sshll.u32 s31, $0x6;
	[sflag:s24] =	ssyncset.done $0x0  }
0xd8: {  	p0 =	sne.s32 s3, s15;
	s0 =	sor.u32 $0x1C05, s0;
	[sflag:s24] =	ssyncadd.s32 $0xFFFFC000  }
.Ltmp3:
0xd9: {  	s2 =	sshrl.u32 s5, $0x3;
	[bflag:$0x0] =	sbarrier.arrive $0xFFFF;
	(pc) =	sbr.rel @p0 .LBB2_1-.Ltmp3, $4  }
0xda: {  	[hbm:s14], [sflag:s0] =	dma.local [spmem:s2], $0x2800  }
0xdb: {  	_ =	swait.ge [sflag:s17], $0x2800  }
0xdc: {  	[sflag:s17] =	ssyncset.done $0x0  }
0xdd: {  	[sflag:s17] =	ssyncadd.s32 $0xFFFFD800  }
0xde: {  	_ =	sfence.sel $0x180000  }
0xdf: {  	[bflag:$0x0] =	sbarrier.arrive $0xFFFF  }
0xe0: {  	_ =	strace $0x9000004A  }
0xe1: {  	s0 =	stileid.u32;
	[bflag:$0x2] =	sbarrier.arrive $0xFFFF  }
0xe2: {  	p0 =	sne.s32 s0, $0x0;
	s0 =	rddreg [dreg:$0x3]  }
0xe3: {  	s0 =	sadd.s32 @!p0 $0x100000, s0  }
0xe4: {  	[sflag:s0] =	ssyncadd.tile.s32 @!p0 $0x1;
	_ =	shalt  }
.Lfunc_end2:
_tile_overlayer_lowered:
.L_overlay_start_2:
0xe5: {  	(tag) =	ssettag $0x2  }
0xe6: {  	s0 =	rddreg [dreg:$0x0];
	s2 =	stileid.u32  }
0xe7: {  	s1 =	rddreg [dreg:$0x1];
	p0 =	sne.s32 s2, $0x0  }
0xe8: {  	s3 =	rddreg [dreg:$0x2];
	[bflag:$0x3] =	sbarrier.arrive $0xFFFF;
	s2 =	simm.s32 @!p0 $0x1C05  }
0xe9: {  	[timem:s3], [sflag:s2] =	dma.local @!p0 [hbm:s0], s1  }
0xea: {  	s0 =	simm.s32 @!p0 $0x5  }
0xeb: {  	_ =	swait.ge @!p0 [sflag:s0], s1  }
0xec: {  	s1 =	ssub.s32 @!p0 $0x0, s1;
	[sflag:s0] =	ssyncset.done @!p0 $0x0  }
0xed: {  	[sflag:s0] =	ssyncadd.s32 @!p0 s1  }
0xee: {  	[bflag:$0x3] =	sbarrier.arrive $0xFFFF  }
0xef: {  	_ =	shalt  }

</sc_bundles>
